<compile_context>
chip_gen: v7x
topology: tpu7x:2x2x1
jax: 0.10.2.dev20260603
libtpu: 0.0.44.dev20260713+nightly
codegen_flags: <defaults>
</compile_context>

<pallas_src>
import functools

import jax
import jax.numpy as jnp
from jax import lax
from jax.experimental import pallas as pl
from jax.experimental.pallas import tpu as pltpu
from jax.experimental.pallas import tpu_sc as plsc

B = 16
N = 2048
L = 16
H = N // 2
NCB = N // L
NQB = H // L
RG = 4
BIG = 3.0e38


def _chamfer_body(q_hbm, k_hbm, out1, out2,
                  qx_v, qy_v, qz_v, kx_v, ky_v, kz_v,
                  na_v, nb_v, rmin_v, cmin_v):
    c = lax.axis_index("c")
    s = lax.axis_index("s")
    wid = s * 2 + c
    b = wid // 2
    h = wid % 2

    pltpu.sync_copy(q_hbm.at[b, h, 0], qx_v)
    pltpu.sync_copy(q_hbm.at[b, h, 1], qy_v)
    pltpu.sync_copy(q_hbm.at[b, h, 2], qz_v)
    pltpu.sync_copy(k_hbm.at[b, 0], kx_v)
    pltpu.sync_copy(k_hbm.at[b, 1], ky_v)
    pltpu.sync_copy(k_hbm.at[b, 2], kz_v)

    big = jnp.full((L,), BIG, jnp.float32)
    lanes = lax.iota(jnp.int32, L)

    def bf16_round(x):
        u = lax.bitcast_convert_type(x, jnp.int32)
        u = u + 0x7FFF + ((u >> 16) & 1)
        u = u & jnp.int32(-65536)
        return lax.bitcast_convert_type(u, jnp.float32)

    def prep_cols(j, _):
        off = j * L
        x = kx_v[pl.ds(off, L)]
        y = ky_v[pl.ds(off, L)]
        z = kz_v[pl.ds(off, L)]
        nb_v[pl.ds(off, L)] = x * x + y * y + z * z
        kx_v[pl.ds(off, L)] = bf16_round(x)
        ky_v[pl.ds(off, L)] = bf16_round(y)
        kz_v[pl.ds(off, L)] = bf16_round(z)
        cmin_v[pl.ds(off, L)] = big
        return 0

    lax.fori_loop(0, NCB, prep_cols, 0, unroll=2)

    def prep_rows(j, _):
        off = j * L
        x = qx_v[pl.ds(off, L)]
        y = qy_v[pl.ds(off, L)]
        z = qz_v[pl.ds(off, L)]
        na_v[pl.ds(off, L)] = x * x + y * y + z * z
        qx_v[pl.ds(off, L)] = -2.0 * bf16_round(x)
        qy_v[pl.ds(off, L)] = -2.0 * bf16_round(y)
        qz_v[pl.ds(off, L)] = -2.0 * bf16_round(z)
        return 0

    lax.fori_loop(0, NQB, prep_rows, 0, unroll=2)

    def macro_group(g, _):
        mbase = g * L
        acc = big
        for sub in range(L // RG):
            rows = []
            for r in range(RG):
                idx = jnp.full((L,), mbase + sub * RG + r, jnp.int32)
                m0 = plsc.load_gather(qx_v, [idx])
                m1 = plsc.load_gather(qy_v, [idx])
                m2 = plsc.load_gather(qz_v, [idx])
                na = plsc.load_gather(na_v, [idx])
                rows.append((m0, m1, m2, na))

            def col_block(j, carry):
                rm = list(carry)
                off = j * L
                bx = kx_v[pl.ds(off, L)]
                by = ky_v[pl.ds(off, L)]
                bz = kz_v[pl.ds(off, L)]
                nb = nb_v[pl.ds(off, L)]
                cm = cmin_v[pl.ds(off, L)]
                for r in range(RG):
                    m0, m1, m2, na = rows[r]
                    d = (na + nb) + m0 * bx + m1 * by + m2 * bz
                    rm[r] = jnp.minimum(rm[r], d)
                    cm = jnp.minimum(cm, d)
                cmin_v[pl.ds(off, L)] = cm
                return tuple(rm)

            rmins = lax.fori_loop(0, NCB, col_block,
                                  tuple(big for _ in range(RG)), unroll=2)
            for r in range(RG):
                smin = jnp.min(rmins[r])
                acc = jnp.where(lanes == (sub * RG + r), smin, acc)
        rmin_v[pl.ds(mbase, L)] = acc
        return 0

    lax.fori_loop(0, H // L, macro_group, 0)

    pltpu.sync_copy(rmin_v, out1.at[b, h])
    pltpu.sync_copy(cmin_v, out2.at[b, h])


@functools.partial(
    pl.kernel,
    mesh=plsc.VectorSubcoreMesh(core_axis_name="c", subcore_axis_name="s"),
    compiler_params=pltpu.CompilerParams(
        use_tc_tiling_on_sc=False, needs_layout_passes=False),
    out_type=[
        jax.ShapeDtypeStruct((B, 2, H), jnp.float32),
        jax.ShapeDtypeStruct((B, 2, N), jnp.float32),
    ],
    scratch_types=[
        pltpu.VMEM((H,), jnp.float32),
        pltpu.VMEM((H,), jnp.float32),
        pltpu.VMEM((H,), jnp.float32),
        pltpu.VMEM((N,), jnp.float32),
        pltpu.VMEM((N,), jnp.float32),
        pltpu.VMEM((N,), jnp.float32),
        pltpu.VMEM((H,), jnp.float32),
        pltpu.VMEM((N,), jnp.float32),
        pltpu.VMEM((H,), jnp.float32),
        pltpu.VMEM((N,), jnp.float32),
    ],
)
def _chamfer_sc(q_hbm, k_hbm, out1, out2,
                qx_v, qy_v, qz_v, kx_v, ky_v, kz_v,
                na_v, nb_v, rmin_v, cmin_v):
    _chamfer_body(q_hbm, k_hbm, out1, out2,
                  qx_v, qy_v, qz_v, kx_v, ky_v, kz_v,
                  na_v, nb_v, rmin_v, cmin_v)


@jax.jit
def kernel(xyz1, xyz2):
    q = xyz1.reshape(B, 2, H, 3).transpose(0, 1, 3, 2)
    k = xyz2.transpose(0, 2, 1)
    rminsq, cminsq_part = _chamfer_sc(q, k)
    d1sq = rminsq.reshape(B, N)
    d2sq = jnp.min(cminsq_part, axis=1)
    d1 = jnp.sqrt(jnp.maximum(d1sq, 1e-12))
    d2 = jnp.sqrt(jnp.maximum(d2sq, 1e-12))
    return 0.5 * (jnp.mean(d1) + jnp.mean(d2))

# --- scband reference (transcript-rebuilt; emitter-appended) ---
"""Pipeline reference for scband-chamfer-distance-l1-7473243095507 (READ-ONLY COPY).

The authoritative reference and input builder live on the scoring server;
editing this copy changes nothing except your own understanding.
"""

import jax, jax.numpy as jnp
import numpy as np


def setup_inputs(seed: int = 0) -> dict:
    key = jax.random.key(seed)
    k1, k2 = jax.random.split(key)
    xyz1 = jax.random.normal(k1, (16, 2048, 3), dtype=jnp.float32)
    xyz2 = jax.random.normal(k2, (16, 2048, 3), dtype=jnp.float32)
    return {"xyz1": xyz1, "xyz2": xyz2}


def _pairwise_sq_dists(x1, x2):
    # ||a-b||^2 = ||a||^2 + ||b||^2 - 2 a.b, computed without the B,N1,N2,3 broadcast.
    n1 = jnp.sum(x1 * x1, axis=-1)  # (B, N1)
    n2 = jnp.sum(x2 * x2, axis=-1)  # (B, N2)
    inner = jnp.einsum('bnd,bmd->bnm', x1, x2)  # (B, N1, N2)
    d = n1[:, :, None] + n2[:, None, :] - 2.0 * inner
    return jnp.maximum(d, 0.0)


def reference(xyz1, xyz2):
    # ignore_zeros=False, so no filtering branch is taken.
    d = _pairwise_sq_dists(xyz1, xyz2)  # squared L2 (norm=2 in pytorch3d convention)
    dist1 = jnp.min(d, axis=2)  # (B, N1) nearest sq-dist from xyz1 -> xyz2
    dist2 = jnp.min(d, axis=1)  # (B, N2) nearest sq-dist from xyz2 -> xyz1
    dist1 = jnp.sqrt(jnp.maximum(dist1, 1e-12))
    dist2 = jnp.sqrt(jnp.maximum(dist2, 1e-12))
    per_batch = (jnp.mean(dist1, axis=1) + jnp.mean(dist2, axis=1)) / 2.0
    return jnp.mean(per_batch)

if __name__ == "__main__":
    import jax
    _d = setup_inputs()
    print(jax.jit(kernel)(*tuple(_d.values())))

</pallas_src>

<mosaic_0001>
#map = affine_map<(d0, d1) -> (0, 0, 0, 0)>
#map1 = affine_map<(d0, d1) -> (0, 0, 0)>
module attributes {stable_mosaic.version = 14 : i64} {
  func.func @_chamfer_sc(%arg0: i32, %arg1: i32, %arg2: memref<16x2x3x1024xf32, #tpu.memory_space<hbm>>, %arg3: memref<16x3x2048xf32, #tpu.memory_space<hbm>>, %arg4: memref<16x2x1024xf32, #tpu.memory_space<hbm>>, %arg5: memref<16x2x2048xf32, #tpu.memory_space<hbm>>, %arg6: memref<1024xf32, #tpu.memory_space<vmem>>, %arg7: memref<1024xf32, #tpu.memory_space<vmem>>, %arg8: memref<1024xf32, #tpu.memory_space<vmem>>, %arg9: memref<2048xf32, #tpu.memory_space<vmem>>, %arg10: memref<2048xf32, #tpu.memory_space<vmem>>, %arg11: memref<2048xf32, #tpu.memory_space<vmem>>, %arg12: memref<1024xf32, #tpu.memory_space<vmem>>, %arg13: memref<2048xf32, #tpu.memory_space<vmem>>, %arg14: memref<1024xf32, #tpu.memory_space<vmem>>, %arg15: memref<2048xf32, #tpu.memory_space<vmem>>) attributes {dimension_semantics = [#tpu.dimension_semantics<core_parallel>, #tpu.dimension_semantics<subcore_parallel>], iteration_bounds = array<i64: 2, 16>, scalar_prefetch = 0 : i64, scratch_operands = 10 : i64, tpu.core_type = #tpu.core_type<sc_vector_subcore>, window_params = [{transform_indices = #map}, {transform_indices = #map1}, {transform_indices = #map1}, {transform_indices = #map1}]} {
    %mul3A = arith.constant 2 : i32
    %mul3A_0 = arith.muli %arg1, %mul3A : i32
    %add3A = arith.addi %mul3A_0, %arg0 : i32
    %jit3A = arith.constant 2 : i32
    %div3A = arith.divsi %add3A, %jit3A : i32
    %sign3A = arith.constant 0 : i32
    %sign3A_1 = arith.cmpi sgt, %add3A, %sign3A : i32
    %sign3A_2 = arith.extui %sign3A_1 : i1 to i32
    %sign3A_3 = arith.constant 0 : i32
    %sign3A_4 = arith.cmpi slt, %add3A, %sign3A_3 : i32
    %sign3A_5 = arith.extui %sign3A_4 : i1 to i32
    %sign3A_6 = arith.subi %sign3A_2, %sign3A_5 : i32
    %sign3A_7 = arith.constant 0 : i32
    %sign3A_8 = arith.cmpi sgt, %jit3A, %sign3A_7 : i32
    %sign3A_9 = arith.extui %sign3A_8 : i1 to i32
    %sign3A_10 = arith.constant 0 : i32
    %sign3A_11 = arith.cmpi slt, %jit3A, %sign3A_10 : i32
    %sign3A_12 = arith.extui %sign3A_11 : i1 to i32
    %sign3A_13 = arith.subi %sign3A_9, %sign3A_12 : i32
    %ne3A = arith.cmpi ne, %sign3A_6, %sign3A_13 : i32
    %rem3A = arith.remsi %add3A, %jit3A : i32
    %ne3A_14 = arith.constant 0 : i32
    %ne3A_15 = arith.cmpi ne, %rem3A, %ne3A_14 : i32
    %and3A = arith.andi %ne3A, %ne3A_15 : i1
    %sub3A = arith.constant 1 : i32
    %sub3A_16 = arith.subi %div3A, %sub3A : i32
    %select_n3A = arith.select %and3A, %sub3A_16, %div3A : i32
    %jit3A_17 = arith.constant 2 : i32
    %eq3A = arith.constant 0 : i32
    %eq3A_18 = arith.cmpi eq, %jit3A_17, %eq3A : i32
    %jit3A_19 = arith.constant 1 : i32
    %select_n3A_20 = arith.select %eq3A_18, %jit3A_19, %jit3A_17 : i32
    %rem3A_21 = arith.remsi %add3A, %select_n3A_20 : i32
    %ne3A_22 = arith.constant 0 : i32
    %ne3A_23 = arith.cmpi ne, %rem3A_21, %ne3A_22 : i32
    %lt3A = arith.constant 0 : i32
    %lt3A_24 = arith.cmpi slt, %rem3A_21, %lt3A : i32
    %lt3A_25 = arith.constant 0 : i32
    %lt3A_26 = arith.cmpi slt, %select_n3A_20, %lt3A_25 : i32
    %ne3A_27 = arith.xori %lt3A_24, %lt3A_26 : i1
    %and3A_28 = arith.andi %ne3A_27, %ne3A_23 : i1
    %add3A_29 = arith.addi %rem3A_21, %select_n3A_20 : i32
    %select_n3A_30 = arith.select %and3A_28, %add3A_29, %rem3A_21 : i32
    %run_scoped3A = arith.constant 0 : i32
    "tpu.region"() ({
      %run_scoped3A_57 = tpu.sem_alloc : memref<!tpu.dma_semaphore, #tpu.memory_space<semaphore_mem>>
      %dma_start3A = arith.constant 0 : i32
      %dma_start3A_58 = tpu.memref_slice %arg2[%select_n3A, %select_n3A_30, %run_scoped3A, %dma_start3A] : memref<16x2x3x1024xf32, #tpu.memory_space<hbm>> -> memref<1x1x1x1024xf32, #tpu.memory_space<hbm>>
      %dma_start3A_59 = tpu.memref_squeeze %dma_start3A_58 : memref<1x1x1x1024xf32, #tpu.memory_space<hbm>> -> memref<1024xf32, #tpu.memory_space<hbm>>
      %dma_start3A_60 = arith.constant 0 : i32
      %dma_start3A_61 = tpu.memref_slice %arg2[%select_n3A, %select_n3A_30, %run_scoped3A, %dma_start3A_60] : memref<16x2x3x1024xf32, #tpu.memory_space<hbm>> -> memref<1x1x1x1024xf32, #tpu.memory_space<hbm>>
      %dma_start3A_62 = tpu.memref_squeeze %dma_start3A_61 : memref<1x1x1x1024xf32, #tpu.memory_space<hbm>> -> memref<1024xf32, #tpu.memory_space<hbm>>
      tpu.enqueue_dma source(%dma_start3A_62 : memref<1024xf32, #tpu.memory_space<hbm>>) target(%arg6 : memref<1024xf32, #tpu.memory_space<vmem>>) target_semaphore(%run_scoped3A_57 : memref<!tpu.dma_semaphore, #tpu.memory_space<semaphore_mem>>)
      %dma_wait3A = arith.constant 0 : i32
      %dma_wait3A_63 = tpu.memref_slice %arg2[%select_n3A, %select_n3A_30, %run_scoped3A, %dma_wait3A] : memref<16x2x3x1024xf32, #tpu.memory_space<hbm>> -> memref<1x1x1x1024xf32, #tpu.memory_space<hbm>>
      %dma_wait3A_64 = tpu.memref_squeeze %dma_wait3A_63 : memref<1x1x1x1024xf32, #tpu.memory_space<hbm>> -> memref<1024xf32, #tpu.memory_space<hbm>>
      %dma_wait3A_65 = arith.constant 0 : i32
      %dma_wait3A_66 = tpu.memref_slice %arg2[%select_n3A, %select_n3A_30, %run_scoped3A, %dma_wait3A_65] : memref<16x2x3x1024xf32, #tpu.memory_space<hbm>> -> memref<1x1x1x1024xf32, #tpu.memory_space<hbm>>
      %dma_wait3A_67 = tpu.memref_squeeze %dma_wait3A_66 : memref<1x1x1x1024xf32, #tpu.memory_space<hbm>> -> memref<1024xf32, #tpu.memory_space<hbm>>
      tpu.wait_dma2 semaphore(%run_scoped3A_57 : memref<!tpu.dma_semaphore, #tpu.memory_space<semaphore_mem>>) src(%dma_wait3A_67 : memref<1024xf32, #tpu.memory_space<hbm>>) dst(%arg6 : memref<1024xf32, #tpu.memory_space<vmem>>)
      tpu.yield
    }) : () -> ()
    %run_scoped3A_31 = arith.constant 1 : i32
    "tpu.region"() ({
      %run_scoped3A_57 = tpu.sem_alloc : memref<!tpu.dma_semaphore, #tpu.memory_space<semaphore_mem>>
      %dma_start3A = arith.constant 0 : i32
      %dma_start3A_58 = tpu.memref_slice %arg2[%select_n3A, %select_n3A_30, %run_scoped3A_31, %dma_start3A] : memref<16x2x3x1024xf32, #tpu.memory_space<hbm>> -> memref<1x1x1x1024xf32, #tpu.memory_space<hbm>>
      %dma_start3A_59 = tpu.memref_squeeze %dma_start3A_58 : memref<1x1x1x1024xf32, #tpu.memory_space<hbm>> -> memref<1024xf32, #tpu.memory_space<hbm>>
      %dma_start3A_60 = arith.constant 0 : i32
      %dma_start3A_61 = tpu.memref_slice %arg2[%select_n3A, %select_n3A_30, %run_scoped3A_31, %dma_start3A_60] : memref<16x2x3x1024xf32, #tpu.memory_space<hbm>> -> memref<1x1x1x1024xf32, #tpu.memory_space<hbm>>
      %dma_start3A_62 = tpu.memref_squeeze %dma_start3A_61 : memref<1x1x1x1024xf32, #tpu.memory_space<hbm>> -> memref<1024xf32, #tpu.memory_space<hbm>>
      tpu.enqueue_dma source(%dma_start3A_62 : memref<1024xf32, #tpu.memory_space<hbm>>) target(%arg7 : memref<1024xf32, #tpu.memory_space<vmem>>) target_semaphore(%run_scoped3A_57 : memref<!tpu.dma_semaphore, #tpu.memory_space<semaphore_mem>>)
      %dma_wait3A = arith.constant 0 : i32
      %dma_wait3A_63 = tpu.memref_slice %arg2[%select_n3A, %select_n3A_30, %run_scoped3A_31, %dma_wait3A] : memref<16x2x3x1024xf32, #tpu.memory_space<hbm>> -> memref<1x1x1x1024xf32, #tpu.memory_space<hbm>>
      %dma_wait3A_64 = tpu.memref_squeeze %dma_wait3A_63 : memref<1x1x1x1024xf32, #tpu.memory_space<hbm>> -> memref<1024xf32, #tpu.memory_space<hbm>>
      %dma_wait3A_65 = arith.constant 0 : i32
      %dma_wait3A_66 = tpu.memref_slice %arg2[%select_n3A, %select_n3A_30, %run_scoped3A_31, %dma_wait3A_65] : memref<16x2x3x1024xf32, #tpu.memory_space<hbm>> -> memref<1x1x1x1024xf32, #tpu.memory_space<hbm>>
      %dma_wait3A_67 = tpu.memref_squeeze %dma_wait3A_66 : memref<1x1x1x1024xf32, #tpu.memory_space<hbm>> -> memref<1024xf32, #tpu.memory_space<hbm>>
      tpu.wait_dma2 semaphore(%run_scoped3A_57 : memref<!tpu.dma_semaphore, #tpu.memory_space<semaphore_mem>>) src(%dma_wait3A_67 : memref<1024xf32, #tpu.memory_space<hbm>>) dst(%arg7 : memref<1024xf32, #tpu.memory_space<vmem>>)
      tpu.yield
    }) : () -> ()
    %run_scoped3A_32 = arith.constant 2 : i32
    "tpu.region"() ({
      %run_scoped3A_57 = tpu.sem_alloc : memref<!tpu.dma_semaphore, #tpu.memory_space<semaphore_mem>>
      %dma_start3A = arith.constant 0 : i32
      %dma_start3A_58 = tpu.memref_slice %arg2[%select_n3A, %select_n3A_30, %run_scoped3A_32, %dma_start3A] : memref<16x2x3x1024xf32, #tpu.memory_space<hbm>> -> memref<1x1x1x1024xf32, #tpu.memory_space<hbm>>
      %dma_start3A_59 = tpu.memref_squeeze %dma_start3A_58 : memref<1x1x1x1024xf32, #tpu.memory_space<hbm>> -> memref<1024xf32, #tpu.memory_space<hbm>>
      %dma_start3A_60 = arith.constant 0 : i32
      %dma_start3A_61 = tpu.memref_slice %arg2[%select_n3A, %select_n3A_30, %run_scoped3A_32, %dma_start3A_60] : memref<16x2x3x1024xf32, #tpu.memory_space<hbm>> -> memref<1x1x1x1024xf32, #tpu.memory_space<hbm>>
      %dma_start3A_62 = tpu.memref_squeeze %dma_start3A_61 : memref<1x1x1x1024xf32, #tpu.memory_space<hbm>> -> memref<1024xf32, #tpu.memory_space<hbm>>
      tpu.enqueue_dma source(%dma_start3A_62 : memref<1024xf32, #tpu.memory_space<hbm>>) target(%arg8 : memref<1024xf32, #tpu.memory_space<vmem>>) target_semaphore(%run_scoped3A_57 : memref<!tpu.dma_semaphore, #tpu.memory_space<semaphore_mem>>)
      %dma_wait3A = arith.constant 0 : i32
      %dma_wait3A_63 = tpu.memref_slice %arg2[%select_n3A, %select_n3A_30, %run_scoped3A_32, %dma_wait3A] : memref<16x2x3x1024xf32, #tpu.memory_space<hbm>> -> memref<1x1x1x1024xf32, #tpu.memory_space<hbm>>
      %dma_wait3A_64 = tpu.memref_squeeze %dma_wait3A_63 : memref<1x1x1x1024xf32, #tpu.memory_space<hbm>> -> memref<1024xf32, #tpu.memory_space<hbm>>
      %dma_wait3A_65 = arith.constant 0 : i32
      %dma_wait3A_66 = tpu.memref_slice %arg2[%select_n3A, %select_n3A_30, %run_scoped3A_32, %dma_wait3A_65] : memref<16x2x3x1024xf32, #tpu.memory_space<hbm>> -> memref<1x1x1x1024xf32, #tpu.memory_space<hbm>>
      %dma_wait3A_67 = tpu.memref_squeeze %dma_wait3A_66 : memref<1x1x1x1024xf32, #tpu.memory_space<hbm>> -> memref<1024xf32, #tpu.memory_space<hbm>>
      tpu.wait_dma2 semaphore(%run_scoped3A_57 : memref<!tpu.dma_semaphore, #tpu.memory_space<semaphore_mem>>) src(%dma_wait3A_67 : memref<1024xf32, #tpu.memory_space<hbm>>) dst(%arg8 : memref<1024xf32, #tpu.memory_space<vmem>>)
      tpu.yield
    }) : () -> ()
    %run_scoped3A_33 = arith.constant 0 : i32
    "tpu.region"() ({
      %run_scoped3A_57 = tpu.sem_alloc : memref<!tpu.dma_semaphore, #tpu.memory_space<semaphore_mem>>
      %dma_start3A = arith.constant 0 : i32
      %dma_start3A_58 = tpu.memref_slice %arg3[%select_n3A, %run_scoped3A_33, %dma_start3A] : memref<16x3x2048xf32, #tpu.memory_space<hbm>> -> memref<1x1x2048xf32, #tpu.memory_space<hbm>>
      %dma_start3A_59 = tpu.memref_squeeze %dma_start3A_58 : memref<1x1x2048xf32, #tpu.memory_space<hbm>> -> memref<2048xf32, #tpu.memory_space<hbm>>
      %dma_start3A_60 = arith.constant 0 : i32
      %dma_start3A_61 = tpu.memref_slice %arg3[%select_n3A, %run_scoped3A_33, %dma_start3A_60] : memref<16x3x2048xf32, #tpu.memory_space<hbm>> -> memref<1x1x2048xf32, #tpu.memory_space<hbm>>
      %dma_start3A_62 = tpu.memref_squeeze %dma_start3A_61 : memref<1x1x2048xf32, #tpu.memory_space<hbm>> -> memref<2048xf32, #tpu.memory_space<hbm>>
      tpu.enqueue_dma source(%dma_start3A_62 : memref<2048xf32, #tpu.memory_space<hbm>>) target(%arg9 : memref<2048xf32, #tpu.memory_space<vmem>>) target_semaphore(%run_scoped3A_57 : memref<!tpu.dma_semaphore, #tpu.memory_space<semaphore_mem>>)
      %dma_wait3A = arith.constant 0 : i32
      %dma_wait3A_63 = tpu.memref_slice %arg3[%select_n3A, %run_scoped3A_33, %dma_wait3A] : memref<16x3x2048xf32, #tpu.memory_space<hbm>> -> memref<1x1x2048xf32, #tpu.memory_space<hbm>>
      %dma_wait3A_64 = tpu.memref_squeeze %dma_wait3A_63 : memref<1x1x2048xf32, #tpu.memory_space<hbm>> -> memref<2048xf32, #tpu.memory_space<hbm>>
      %dma_wait3A_65 = arith.constant 0 : i32
      %dma_wait3A_66 = tpu.memref_slice %arg3[%select_n3A, %run_scoped3A_33, %dma_wait3A_65] : memref<16x3x2048xf32, #tpu.memory_space<hbm>> -> memref<1x1x2048xf32, #tpu.memory_space<hbm>>
      %dma_wait3A_67 = tpu.memref_squeeze %dma_wait3A_66 : memref<1x1x2048xf32, #tpu.memory_space<hbm>> -> memref<2048xf32, #tpu.memory_space<hbm>>
      tpu.wait_dma2 semaphore(%run_scoped3A_57 : memref<!tpu.dma_semaphore, #tpu.memory_space<semaphore_mem>>) src(%dma_wait3A_67 : memref<2048xf32, #tpu.memory_space<hbm>>) dst(%arg9 : memref<2048xf32, #tpu.memory_space<vmem>>)
      tpu.yield
    }) : () -> ()
    %run_scoped3A_34 = arith.constant 1 : i32
    "tpu.region"() ({
      %run_scoped3A_57 = tpu.sem_alloc : memref<!tpu.dma_semaphore, #tpu.memory_space<semaphore_mem>>
      %dma_start3A = arith.constant 0 : i32
      %dma_start3A_58 = tpu.memref_slice %arg3[%select_n3A, %run_scoped3A_34, %dma_start3A] : memref<16x3x2048xf32, #tpu.memory_space<hbm>> -> memref<1x1x2048xf32, #tpu.memory_space<hbm>>
      %dma_start3A_59 = tpu.memref_squeeze %dma_start3A_58 : memref<1x1x2048xf32, #tpu.memory_space<hbm>> -> memref<2048xf32, #tpu.memory_space<hbm>>
      %dma_start3A_60 = arith.constant 0 : i32
      %dma_start3A_61 = tpu.memref_slice %arg3[%select_n3A, %run_scoped3A_34, %dma_start3A_60] : memref<16x3x2048xf32, #tpu.memory_space<hbm>> -> memref<1x1x2048xf32, #tpu.memory_space<hbm>>
      %dma_start3A_62 = tpu.memref_squeeze %dma_start3A_61 : memref<1x1x2048xf32, #tpu.memory_space<hbm>> -> memref<2048xf32, #tpu.memory_space<hbm>>
      tpu.enqueue_dma source(%dma_start3A_62 : memref<2048xf32, #tpu.memory_space<hbm>>) target(%arg10 : memref<2048xf32, #tpu.memory_space<vmem>>) target_semaphore(%run_scoped3A_57 : memref<!tpu.dma_semaphore, #tpu.memory_space<semaphore_mem>>)
      %dma_wait3A = arith.constant 0 : i32
      %dma_wait3A_63 = tpu.memref_slice %arg3[%select_n3A, %run_scoped3A_34, %dma_wait3A] : memref<16x3x2048xf32, #tpu.memory_space<hbm>> -> memref<1x1x2048xf32, #tpu.memory_space<hbm>>
      %dma_wait3A_64 = tpu.memref_squeeze %dma_wait3A_63 : memref<1x1x2048xf32, #tpu.memory_space<hbm>> -> memref<2048xf32, #tpu.memory_space<hbm>>
      %dma_wait3A_65 = arith.constant 0 : i32
      %dma_wait3A_66 = tpu.memref_slice %arg3[%select_n3A, %run_scoped3A_34, %dma_wait3A_65] : memref<16x3x2048xf32, #tpu.memory_space<hbm>> -> memref<1x1x2048xf32, #tpu.memory_space<hbm>>
      %dma_wait3A_67 = tpu.memref_squeeze %dma_wait3A_66 : memref<1x1x2048xf32, #tpu.memory_space<hbm>> -> memref<2048xf32, #tpu.memory_space<hbm>>
      tpu.wait_dma2 semaphore(%run_scoped3A_57 : memref<!tpu.dma_semaphore, #tpu.memory_space<semaphore_mem>>) src(%dma_wait3A_67 : memref<2048xf32, #tpu.memory_space<hbm>>) dst(%arg10 : memref<2048xf32, #tpu.memory_space<vmem>>)
      tpu.yield
    }) : () -> ()
    %run_scoped3A_35 = arith.constant 2 : i32
    "tpu.region"() ({
      %run_scoped3A_57 = tpu.sem_alloc : memref<!tpu.dma_semaphore, #tpu.memory_space<semaphore_mem>>
      %dma_start3A = arith.constant 0 : i32
      %dma_start3A_58 = tpu.memref_slice %arg3[%select_n3A, %run_scoped3A_35, %dma_start3A] : memref<16x3x2048xf32, #tpu.memory_space<hbm>> -> memref<1x1x2048xf32, #tpu.memory_space<hbm>>
      %dma_start3A_59 = tpu.memref_squeeze %dma_start3A_58 : memref<1x1x2048xf32, #tpu.memory_space<hbm>> -> memref<2048xf32, #tpu.memory_space<hbm>>
      %dma_start3A_60 = arith.constant 0 : i32
      %dma_start3A_61 = tpu.memref_slice %arg3[%select_n3A, %run_scoped3A_35, %dma_start3A_60] : memref<16x3x2048xf32, #tpu.memory_space<hbm>> -> memref<1x1x2048xf32, #tpu.memory_space<hbm>>
      %dma_start3A_62 = tpu.memref_squeeze %dma_start3A_61 : memref<1x1x2048xf32, #tpu.memory_space<hbm>> -> memref<2048xf32, #tpu.memory_space<hbm>>
      tpu.enqueue_dma source(%dma_start3A_62 : memref<2048xf32, #tpu.memory_space<hbm>>) target(%arg11 : memref<2048xf32, #tpu.memory_space<vmem>>) target_semaphore(%run_scoped3A_57 : memref<!tpu.dma_semaphore, #tpu.memory_space<semaphore_mem>>)
      %dma_wait3A = arith.constant 0 : i32
      %dma_wait3A_63 = tpu.memref_slice %arg3[%select_n3A, %run_scoped3A_35, %dma_wait3A] : memref<16x3x2048xf32, #tpu.memory_space<hbm>> -> memref<1x1x2048xf32, #tpu.memory_space<hbm>>
      %dma_wait3A_64 = tpu.memref_squeeze %dma_wait3A_63 : memref<1x1x2048xf32, #tpu.memory_space<hbm>> -> memref<2048xf32, #tpu.memory_space<hbm>>
      %dma_wait3A_65 = arith.constant 0 : i32
      %dma_wait3A_66 = tpu.memref_slice %arg3[%select_n3A, %run_scoped3A_35, %dma_wait3A_65] : memref<16x3x2048xf32, #tpu.memory_space<hbm>> -> memref<1x1x2048xf32, #tpu.memory_space<hbm>>
      %dma_wait3A_67 = tpu.memref_squeeze %dma_wait3A_66 : memref<1x1x2048xf32, #tpu.memory_space<hbm>> -> memref<2048xf32, #tpu.memory_space<hbm>>
      tpu.wait_dma2 semaphore(%run_scoped3A_57 : memref<!tpu.dma_semaphore, #tpu.memory_space<semaphore_mem>>) src(%dma_wait3A_67 : memref<2048xf32, #tpu.memory_space<hbm>>) dst(%arg11 : memref<2048xf32, #tpu.memory_space<vmem>>)
      tpu.yield
    }) : () -> ()
    %broadcast_in_dim3A = arith.constant 3.000000e+38 : f32
    %broadcast_in_dim3A_36 = vector.broadcast %broadcast_in_dim3A : f32 to vector<16xf32>
    %iota3A = tpu.iota {dimensions = array<i32: 0>} : vector<16xi32>
    %scan3A = arith.constant 0 : i32
    %scan3A_37 = arith.constant 0 : i32
    %scan3A_38 = arith.constant 128 : i32
    %scan3A_39 = arith.addi %scan3A_37, %scan3A_38 : i32
    %scan3A_40 = arith.constant 2 : i32
    %scan3A_41 = scf.for %scan3A_57 = %scan3A_37 to %scan3A_39 step %scan3A_40 iter_args(%scan3A_58 = %scan3A) -> (i32)  : i32 {
      %mul3A_59 = arith.constant 16 : i32
      %mul3A_60 = arith.muli %scan3A_57, %mul3A_59 : i32
      %get3A = arith.index_cast %mul3A_60 : i32 to index
      %get3A_61 = tpu.vector_load %arg9[%get3A] {strides = array<i32>} : memref<2048xf32, #tpu.memory_space<vmem>>, vector<16xf32>,
      %get3A_62 = arith.index_cast %mul3A_60 : i32 to index
      %get3A_63 = tpu.vector_load %arg10[%get3A_62] {strides = array<i32>} : memref<2048xf32, #tpu.memory_space<vmem>>, vector<16xf32>,
      %get3A_64 = arith.index_cast %mul3A_60 : i32 to index
      %get3A_65 = tpu.vector_load %arg11[%get3A_64] {strides = array<i32>} : memref<2048xf32, #tpu.memory_space<vmem>>, vector<16xf32>,
      %mul3A_66 = arith.mulf %get3A_61, %get3A_61 : vector<16xf32>
      %mul3A_67 = arith.mulf %get3A_63, %get3A_63 : vector<16xf32>
      %add3A_68 = arith.addf %mul3A_66, %mul3A_67 : vector<16xf32>
      %mul3A_69 = arith.mulf %get3A_65, %get3A_65 : vector<16xf32>
      %add3A_70 = arith.addf %add3A_68, %mul3A_69 : vector<16xf32>
      %swap3A = arith.index_cast %mul3A_60 : i32 to index
      %swap3A_71 = tpu.vector_load %arg13[%swap3A] {strides = array<i32>} : memref<2048xf32, #tpu.memory_space<vmem>>, vector<16xf32>,
      tpu.vector_store %arg13[%swap3A], %add3A_70 {strides = array<i32>} : memref<2048xf32, #tpu.memory_space<vmem>>, vector<16xf32>,
      %bitcast_convert_type3A = tpu.bitcast %get3A_61 : vector<16xf32> -> vector<16xi32>
      %add3A_72 = arith.constant 32767 : i32
      %add3A_73 = vector.broadcast %add3A_72 : i32 to vector<16xi32>
      %add3A_74 = arith.addi %bitcast_convert_type3A, %add3A_73 : vector<16xi32>
      %shift_right_arithmetic3A = arith.constant 16 : i32
      %shift_right_arithmetic3A_75 = vector.broadcast %shift_right_arithmetic3A : i32 to vector<16xi32>
      %shift_right_arithmetic3A_76 = arith.shrsi %bitcast_convert_type3A, %shift_right_arithmetic3A_75 : vector<16xi32>
      %and3A_77 = arith.constant 1 : i32
      %and3A_78 = vector.broadcast %and3A_77 : i32 to vector<16xi32>
      %and3A_79 = arith.andi %shift_right_arithmetic3A_76, %and3A_78 : vector<16xi32>
      %add3A_80 = arith.addi %add3A_74, %and3A_79 : vector<16xi32>
      %and3A_81 = arith.constant -65536 : i32
      %and3A_82 = vector.broadcast %and3A_81 : i32 to vector<16xi32>
      %and3A_83 = arith.andi %add3A_80, %and3A_82 : vector<16xi32>
      %bitcast_convert_type3A_84 = tpu.bitcast %and3A_83 : vector<16xi32> -> vector<16xf32>
      %swap3A_85 = arith.index_cast %mul3A_60 : i32 to index
      %swap3A_86 = tpu.vector_load %arg9[%swap3A_85] {strides = array<i32>} : memref<2048xf32, #tpu.memory_space<vmem>>, vector<16xf32>,
      tpu.vector_store %arg9[%swap3A_85], %bitcast_convert_type3A_84 {strides = array<i32>} : memref<2048xf32, #tpu.memory_space<vmem>>, vector<16xf32>,
      %bitcast_convert_type3A_87 = tpu.bitcast %get3A_63 : vector<16xf32> -> vector<16xi32>
      %add3A_88 = arith.constant 32767 : i32
      %add3A_89 = vector.broadcast %add3A_88 : i32 to vector<16xi32>
      %add3A_90 = arith.addi %bitcast_convert_type3A_87, %add3A_89 : vector<16xi32>
      %shift_right_arithmetic3A_91 = arith.constant 16 : i32
      %shift_right_arithmetic3A_92 = vector.broadcast %shift_right_arithmetic3A_91 : i32 to vector<16xi32>
      %shift_right_arithmetic3A_93 = arith.shrsi %bitcast_convert_type3A_87, %shift_right_arithmetic3A_92 : vector<16xi32>
      %and3A_94 = arith.constant 1 : i32
      %and3A_95 = vector.broadcast %and3A_94 : i32 to vector<16xi32>
      %and3A_96 = arith.andi %shift_right_arithmetic3A_93, %and3A_95 : vector<16xi32>
      %add3A_97 = arith.addi %add3A_90, %and3A_96 : vector<16xi32>
      %and3A_98 = arith.constant -65536 : i32
      %and3A_99 = vector.broadcast %and3A_98 : i32 to vector<16xi32>
      %and3A_100 = arith.andi %add3A_97, %and3A_99 : vector<16xi32>
      %bitcast_convert_type3A_101 = tpu.bitcast %and3A_100 : vector<16xi32> -> vector<16xf32>
      %swap3A_102 = arith.index_cast %mul3A_60 : i32 to index
      %swap3A_103 = tpu.vector_load %arg10[%swap3A_102] {strides = array<i32>} : memref<2048xf32, #tpu.memory_space<vmem>>, vector<16xf32>,
      tpu.vector_store %arg10[%swap3A_102], %bitcast_convert_type3A_101 {strides = array<i32>} : memref<2048xf32, #tpu.memory_space<vmem>>, vector<16xf32>,
      %bitcast_convert_type3A_104 = tpu.bitcast %get3A_65 : vector<16xf32> -> vector<16xi32>
      %add3A_105 = arith.constant 32767 : i32
      %add3A_106 = vector.broadcast %add3A_105 : i32 to vector<16xi32>
      %add3A_107 = arith.addi %bitcast_convert_type3A_104, %add3A_106 : vector<16xi32>
      %shift_right_arithmetic3A_108 = arith.constant 16 : i32
      %shift_right_arithmetic3A_109 = vector.broadcast %shift_right_arithmetic3A_108 : i32 to vector<16xi32>
      %shift_right_arithmetic3A_110 = arith.shrsi %bitcast_convert_type3A_104, %shift_right_arithmetic3A_109 : vector<16xi32>
      %and3A_111 = arith.constant 1 : i32
      %and3A_112 = vector.broadcast %and3A_111 : i32 to vector<16xi32>
      %and3A_113 = arith.andi %shift_right_arithmetic3A_110, %and3A_112 : vector<16xi32>
      %add3A_114 = arith.addi %add3A_107, %and3A_113 : vector<16xi32>
      %and3A_115 = arith.constant -65536 : i32
      %and3A_116 = vector.broadcast %and3A_115 : i32 to vector<16xi32>
      %and3A_117 = arith.andi %add3A_114, %and3A_116 : vector<16xi32>
      %bitcast_convert_type3A_118 = tpu.bitcast %and3A_117 : vector<16xi32> -> vector<16xf32>
      %swap3A_119 = arith.index_cast %mul3A_60 : i32 to index
      %swap3A_120 = tpu.vector_load %arg11[%swap3A_119] {strides = array<i32>} : memref<2048xf32, #tpu.memory_space<vmem>>, vector<16xf32>,
      tpu.vector_store %arg11[%swap3A_119], %bitcast_convert_type3A_118 {strides = array<i32>} : memref<2048xf32, #tpu.memory_space<vmem>>, vector<16xf32>,
      %swap3A_121 = arith.index_cast %mul3A_60 : i32 to index
      %swap3A_122 = tpu.vector_load %arg15[%swap3A_121] {strides = array<i32>} : memref<2048xf32, #tpu.memory_space<vmem>>, vector<16xf32>,
      tpu.vector_store %arg15[%swap3A_121], %broadcast_in_dim3A_36 {strides = array<i32>} : memref<2048xf32, #tpu.memory_space<vmem>>, vector<16xf32>,
      %scan3A_123 = arith.constant 0 : i32
      %scan3A_124 = arith.constant 1 : i32
      %scan3A_125 = arith.addi %scan3A_57, %scan3A_124 : i32
      %mul3A_126 = arith.constant 16 : i32
      %mul3A_127 = arith.muli %scan3A_125, %mul3A_126 : i32
      %get3A_128 = arith.index_cast %mul3A_127 : i32 to index
      %get3A_129 = tpu.vector_load %arg9[%get3A_128] {strides = array<i32>} : memref<2048xf32, #tpu.memory_space<vmem>>, vector<16xf32>,
      %get3A_130 = arith.index_cast %mul3A_127 : i32 to index
      %get3A_131 = tpu.vector_load %arg10[%get3A_130] {strides = array<i32>} : memref<2048xf32, #tpu.memory_space<vmem>>, vector<16xf32>,
      %get3A_132 = arith.index_cast %mul3A_127 : i32 to index
      %get3A_133 = tpu.vector_load %arg11[%get3A_132] {strides = array<i32>} : memref<2048xf32, #tpu.memory_space<vmem>>, vector<16xf32>,
      %mul3A_134 = arith.mulf %get3A_129, %get3A_129 : vector<16xf32>
      %mul3A_135 = arith.mulf %get3A_131, %get3A_131 : vector<16xf32>
      %add3A_136 = arith.addf %mul3A_134, %mul3A_135 : vector<16xf32>
      %mul3A_137 = arith.mulf %get3A_133, %get3A_133 : vector<16xf32>
      %add3A_138 = arith.addf %add3A_136, %mul3A_137 : vector<16xf32>
      %swap3A_139 = arith.index_cast %mul3A_127 : i32 to index
      %swap3A_140 = tpu.vector_load %arg13[%swap3A_139] {strides = array<i32>} : memref<2048xf32, #tpu.memory_space<vmem>>, vector<16xf32>,
      tpu.vector_store %arg13[%swap3A_139], %add3A_138 {strides = array<i32>} : memref<2048xf32, #tpu.memory_space<vmem>>, vector<16xf32>,
      %bitcast_convert_type3A_141 = tpu.bitcast %get3A_129 : vector<16xf32> -> vector<16xi32>
      %add3A_142 = arith.constant 32767 : i32
      %add3A_143 = vector.broadcast %add3A_142 : i32 to vector<16xi32>
      %add3A_144 = arith.addi %bitcast_convert_type3A_141, %add3A_143 : vector<16xi32>
      %shift_right_arithmetic3A_145 = arith.constant 16 : i32
      %shift_right_arithmetic3A_146 = vector.broadcast %shift_right_arithmetic3A_145 : i32 to vector<16xi32>
      %shift_right_arithmetic3A_147 = arith.shrsi %bitcast_convert_type3A_141, %shift_right_arithmetic3A_146 : vector<16xi32>
      %and3A_148 = arith.constant 1 : i32
      %and3A_149 = vector.broadcast %and3A_148 : i32 to vector<16xi32>
      %and3A_150 = arith.andi %shift_right_arithmetic3A_147, %and3A_149 : vector<16xi32>
      %add3A_151 = arith.addi %add3A_144, %and3A_150 : vector<16xi32>
      %and3A_152 = arith.constant -65536 : i32
      %and3A_153 = vector.broadcast %and3A_152 : i32 to vector<16xi32>
      %and3A_154 = arith.andi %add3A_151, %and3A_153 : vector<16xi32>
      %bitcast_convert_type3A_155 = tpu.bitcast %and3A_154 : vector<16xi32> -> vector<16xf32>
      %swap3A_156 = arith.index_cast %mul3A_127 : i32 to index
      %swap3A_157 = tpu.vector_load %arg9[%swap3A_156] {strides = array<i32>} : memref<2048xf32, #tpu.memory_space<vmem>>, vector<16xf32>,
      tpu.vector_store %arg9[%swap3A_156], %bitcast_convert_type3A_155 {strides = array<i32>} : memref<2048xf32, #tpu.memory_space<vmem>>, vector<16xf32>,
      %bitcast_convert_type3A_158 = tpu.bitcast %get3A_131 : vector<16xf32> -> vector<16xi32>
      %add3A_159 = arith.constant 32767 : i32
      %add3A_160 = vector.broadcast %add3A_159 : i32 to vector<16xi32>
      %add3A_161 = arith.addi %bitcast_convert_type3A_158, %add3A_160 : vector<16xi32>
      %shift_right_arithmetic3A_162 = arith.constant 16 : i32
      %shift_right_arithmetic3A_163 = vector.broadcast %shift_right_arithmetic3A_162 : i32 to vector<16xi32>
      %shift_right_arithmetic3A_164 = arith.shrsi %bitcast_convert_type3A_158, %shift_right_arithmetic3A_163 : vector<16xi32>
      %and3A_165 = arith.constant 1 : i32
      %and3A_166 = vector.broadcast %and3A_165 : i32 to vector<16xi32>
      %and3A_167 = arith.andi %shift_right_arithmetic3A_164, %and3A_166 : vector<16xi32>
      %add3A_168 = arith.addi %add3A_161, %and3A_167 : vector<16xi32>
      %and3A_169 = arith.constant -65536 : i32
      %and3A_170 = vector.broadcast %and3A_169 : i32 to vector<16xi32>
      %and3A_171 = arith.andi %add3A_168, %and3A_170 : vector<16xi32>
      %bitcast_convert_type3A_172 = tpu.bitcast %and3A_171 : vector<16xi32> -> vector<16xf32>
      %swap3A_173 = arith.index_cast %mul3A_127 : i32 to index
      %swap3A_174 = tpu.vector_load %arg10[%swap3A_173] {strides = array<i32>} : memref<2048xf32, #tpu.memory_space<vmem>>, vector<16xf32>,
      tpu.vector_store %arg10[%swap3A_173], %bitcast_convert_type3A_172 {strides = array<i32>} : memref<2048xf32, #tpu.memory_space<vmem>>, vector<16xf32>,
      %bitcast_convert_type3A_175 = tpu.bitcast %get3A_133 : vector<16xf32> -> vector<16xi32>
      %add3A_176 = arith.constant 32767 : i32
      %add3A_177 = vector.broadcast %add3A_176 : i32 to vector<16xi32>
      %add3A_178 = arith.addi %bitcast_convert_type3A_175, %add3A_177 : vector<16xi32>
      %shift_right_arithmetic3A_179 = arith.constant 16 : i32
      %shift_right_arithmetic3A_180 = vector.broadcast %shift_right_arithmetic3A_179 : i32 to vector<16xi32>
      %shift_right_arithmetic3A_181 = arith.shrsi %bitcast_convert_type3A_175, %shift_right_arithmetic3A_180 : vector<16xi32>
      %and3A_182 = arith.constant 1 : i32
      %and3A_183 = vector.broadcast %and3A_182 : i32 to vector<16xi32>
      %and3A_184 = arith.andi %shift_right_arithmetic3A_181, %and3A_183 : vector<16xi32>
      %add3A_185 = arith.addi %add3A_178, %and3A_184 : vector<16xi32>
      %and3A_186 = arith.constant -65536 : i32
      %and3A_187 = vector.broadcast %and3A_186 : i32 to vector<16xi32>
      %and3A_188 = arith.andi %add3A_185, %and3A_187 : vector<16xi32>
      %bitcast_convert_type3A_189 = tpu.bitcast %and3A_188 : vector<16xi32> -> vector<16xf32>
      %swap3A_190 = arith.index_cast %mul3A_127 : i32 to index
      %swap3A_191 = tpu.vector_load %arg11[%swap3A_190] {strides = array<i32>} : memref<2048xf32, #tpu.memory_space<vmem>>, vector<16xf32>,
      tpu.vector_store %arg11[%swap3A_190], %bitcast_convert_type3A_189 {strides = array<i32>} : memref<2048xf32, #tpu.memory_space<vmem>>, vector<16xf32>,
      %swap3A_192 = arith.index_cast %mul3A_127 : i32 to index
      %swap3A_193 = tpu.vector_load %arg15[%swap3A_192] {strides = array<i32>} : memref<2048xf32, #tpu.memory_space<vmem>>, vector<16xf32>,
      tpu.vector_store %arg15[%swap3A_192], %broadcast_in_dim3A_36 {strides = array<i32>} : memref<2048xf32, #tpu.memory_space<vmem>>, vector<16xf32>,
      %scan3A_194 = arith.constant 0 : i32
      scf.yield %scan3A_194 : i32
    }
    %scan3A_42 = arith.constant 128 : i32
    %scan3A_43 = arith.constant 0 : i32
    %scan3A_44 = arith.constant 0 : i32
    %scan3A_45 = arith.constant 64 : i32
    %scan3A_46 = arith.addi %scan3A_44, %scan3A_45 : i32
    %scan3A_47 = arith.constant 2 : i32
    %scan3A_48 = scf.for %scan3A_57 = %scan3A_44 to %scan3A_46 step %scan3A_47 iter_args(%scan3A_58 = %scan3A_43) -> (i32)  : i32 {
      %mul3A_59 = arith.constant 16 : i32
      %mul3A_60 = arith.muli %scan3A_57, %mul3A_59 : i32
      %get3A = arith.index_cast %mul3A_60 : i32 to index
      %get3A_61 = tpu.vector_load %arg6[%get3A] {strides = array<i32>} : memref<1024xf32, #tpu.memory_space<vmem>>, vector<16xf32>,
      %get3A_62 = arith.index_cast %mul3A_60 : i32 to index
      %get3A_63 = tpu.vector_load %arg7[%get3A_62] {strides = array<i32>} : memref<1024xf32, #tpu.memory_space<vmem>>, vector<16xf32>,
      %get3A_64 = arith.index_cast %mul3A_60 : i32 to index
      %get3A_65 = tpu.vector_load %arg8[%get3A_64] {strides = array<i32>} : memref<1024xf32, #tpu.memory_space<vmem>>, vector<16xf32>,
      %mul3A_66 = arith.mulf %get3A_61, %get3A_61 : vector<16xf32>
      %mul3A_67 = arith.mulf %get3A_63, %get3A_63 : vector<16xf32>
      %add3A_68 = arith.addf %mul3A_66, %mul3A_67 : vector<16xf32>
      %mul3A_69 = arith.mulf %get3A_65, %get3A_65 : vector<16xf32>
      %add3A_70 = arith.addf %add3A_68, %mul3A_69 : vector<16xf32>
      %swap3A = arith.index_cast %mul3A_60 : i32 to index
      %swap3A_71 = tpu.vector_load %arg12[%swap3A] {strides = array<i32>} : memref<1024xf32, #tpu.memory_space<vmem>>, vector<16xf32>,
      tpu.vector_store %arg12[%swap3A], %add3A_70 {strides = array<i32>} : memref<1024xf32, #tpu.memory_space<vmem>>, vector<16xf32>,
      %bitcast_convert_type3A = tpu.bitcast %get3A_61 : vector<16xf32> -> vector<16xi32>
      %add3A_72 = arith.constant 32767 : i32
      %add3A_73 = vector.broadcast %add3A_72 : i32 to vector<16xi32>
      %add3A_74 = arith.addi %bitcast_convert_type3A, %add3A_73 : vector<16xi32>
      %shift_right_arithmetic3A = arith.constant 16 : i32
      %shift_right_arithmetic3A_75 = vector.broadcast %shift_right_arithmetic3A : i32 to vector<16xi32>
      %shift_right_arithmetic3A_76 = arith.shrsi %bitcast_convert_type3A, %shift_right_arithmetic3A_75 : vector<16xi32>
      %and3A_77 = arith.constant 1 : i32
      %and3A_78 = vector.broadcast %and3A_77 : i32 to vector<16xi32>
      %and3A_79 = arith.andi %shift_right_arithmetic3A_76, %and3A_78 : vector<16xi32>
      %add3A_80 = arith.addi %add3A_74, %and3A_79 : vector<16xi32>
      %and3A_81 = arith.constant -65536 : i32
      %and3A_82 = vector.broadcast %and3A_81 : i32 to vector<16xi32>
      %and3A_83 = arith.andi %add3A_80, %and3A_82 : vector<16xi32>
      %bitcast_convert_type3A_84 = tpu.bitcast %and3A_83 : vector<16xi32> -> vector<16xf32>
      %mul3A_85 = arith.constant -2.000000e+00 : f32
      %mul3A_86 = vector.broadcast %mul3A_85 : f32 to vector<16xf32>
      %mul3A_87 = arith.mulf %mul3A_86, %bitcast_convert_type3A_84 : vector<16xf32>
      %swap3A_88 = arith.index_cast %mul3A_60 : i32 to index
      %swap3A_89 = tpu.vector_load %arg6[%swap3A_88] {strides = array<i32>} : memref<1024xf32, #tpu.memory_space<vmem>>, vector<16xf32>,
      tpu.vector_store %arg6[%swap3A_88], %mul3A_87 {strides = array<i32>} : memref<1024xf32, #tpu.memory_space<vmem>>, vector<16xf32>,
      %bitcast_convert_type3A_90 = tpu.bitcast %get3A_63 : vector<16xf32> -> vector<16xi32>
      %add3A_91 = arith.constant 32767 : i32
      %add3A_92 = vector.broadcast %add3A_91 : i32 to vector<16xi32>
      %add3A_93 = arith.addi %bitcast_convert_type3A_90, %add3A_92 : vector<16xi32>
      %shift_right_arithmetic3A_94 = arith.constant 16 : i32
      %shift_right_arithmetic3A_95 = vector.broadcast %shift_right_arithmetic3A_94 : i32 to vector<16xi32>
      %shift_right_arithmetic3A_96 = arith.shrsi %bitcast_convert_type3A_90, %shift_right_arithmetic3A_95 : vector<16xi32>
      %and3A_97 = arith.constant 1 : i32
      %and3A_98 = vector.broadcast %and3A_97 : i32 to vector<16xi32>
      %and3A_99 = arith.andi %shift_right_arithmetic3A_96, %and3A_98 : vector<16xi32>
      %add3A_100 = arith.addi %add3A_93, %and3A_99 : vector<16xi32>
      %and3A_101 = arith.constant -65536 : i32
      %and3A_102 = vector.broadcast %and3A_101 : i32 to vector<16xi32>
      %and3A_103 = arith.andi %add3A_100, %and3A_102 : vector<16xi32>
      %bitcast_convert_type3A_104 = tpu.bitcast %and3A_103 : vector<16xi32> -> vector<16xf32>
      %mul3A_105 = arith.constant -2.000000e+00 : f32
      %mul3A_106 = vector.broadcast %mul3A_105 : f32 to vector<16xf32>
      %mul3A_107 = arith.mulf %mul3A_106, %bitcast_convert_type3A_104 : vector<16xf32>
      %swap3A_108 = arith.index_cast %mul3A_60 : i32 to index
      %swap3A_109 = tpu.vector_load %arg7[%swap3A_108] {strides = array<i32>} : memref<1024xf32, #tpu.memory_space<vmem>>, vector<16xf32>,
      tpu.vector_store %arg7[%swap3A_108], %mul3A_107 {strides = array<i32>} : memref<1024xf32, #tpu.memory_space<vmem>>, vector<16xf32>,
      %bitcast_convert_type3A_110 = tpu.bitcast %get3A_65 : vector<16xf32> -> vector<16xi32>
      %add3A_111 = arith.constant 32767 : i32
      %add3A_112 = vector.broadcast %add3A_111 : i32 to vector<16xi32>
      %add3A_113 = arith.addi %bitcast_convert_type3A_110, %add3A_112 : vector<16xi32>
      %shift_right_arithmetic3A_114 = arith.constant 16 : i32
      %shift_right_arithmetic3A_115 = vector.broadcast %shift_right_arithmetic3A_114 : i32 to vector<16xi32>
      %shift_right_arithmetic3A_116 = arith.shrsi %bitcast_convert_type3A_110, %shift_right_arithmetic3A_115 : vector<16xi32>
      %and3A_117 = arith.constant 1 : i32
      %and3A_118 = vector.broadcast %and3A_117 : i32 to vector<16xi32>
      %and3A_119 = arith.andi %shift_right_arithmetic3A_116, %and3A_118 : vector<16xi32>
      %add3A_120 = arith.addi %add3A_113, %and3A_119 : vector<16xi32>
      %and3A_121 = arith.constant -65536 : i32
      %and3A_122 = vector.broadcast %and3A_121 : i32 to vector<16xi32>
      %and3A_123 = arith.andi %add3A_120, %and3A_122 : vector<16xi32>
      %bitcast_convert_type3A_124 = tpu.bitcast %and3A_123 : vector<16xi32> -> vector<16xf32>
      %mul3A_125 = arith.constant -2.000000e+00 : f32
      %mul3A_126 = vector.broadcast %mul3A_125 : f32 to vector<16xf32>
      %mul3A_127 = arith.mulf %mul3A_126, %bitcast_convert_type3A_124 : vector<16xf32>
      %swap3A_128 = arith.index_cast %mul3A_60 : i32 to index
      %swap3A_129 = tpu.vector_load %arg8[%swap3A_128] {strides = array<i32>} : memref<1024xf32, #tpu.memory_space<vmem>>, vector<16xf32>,
      tpu.vector_store %arg8[%swap3A_128], %mul3A_127 {strides = array<i32>} : memref<1024xf32, #tpu.memory_space<vmem>>, vector<16xf32>,
      %scan3A_130 = arith.constant 0 : i32
      %scan3A_131 = arith.constant 1 : i32
      %scan3A_132 = arith.addi %scan3A_57, %scan3A_131 : i32
      %mul3A_133 = arith.constant 16 : i32
      %mul3A_134 = arith.muli %scan3A_132, %mul3A_133 : i32
      %get3A_135 = arith.index_cast %mul3A_134 : i32 to index
      %get3A_136 = tpu.vector_load %arg6[%get3A_135] {strides = array<i32>} : memref<1024xf32, #tpu.memory_space<vmem>>, vector<16xf32>,
      %get3A_137 = arith.index_cast %mul3A_134 : i32 to index
      %get3A_138 = tpu.vector_load %arg7[%get3A_137] {strides = array<i32>} : memref<1024xf32, #tpu.memory_space<vmem>>, vector<16xf32>,
      %get3A_139 = arith.index_cast %mul3A_134 : i32 to index
      %get3A_140 = tpu.vector_load %arg8[%get3A_139] {strides = array<i32>} : memref<1024xf32, #tpu.memory_space<vmem>>, vector<16xf32>,
      %mul3A_141 = arith.mulf %get3A_136, %get3A_136 : vector<16xf32>
      %mul3A_142 = arith.mulf %get3A_138, %get3A_138 : vector<16xf32>
      %add3A_143 = arith.addf %mul3A_141, %mul3A_142 : vector<16xf32>
      %mul3A_144 = arith.mulf %get3A_140, %get3A_140 : vector<16xf32>
      %add3A_145 = arith.addf %add3A_143, %mul3A_144 : vector<16xf32>
      %swap3A_146 = arith.index_cast %mul3A_134 : i32 to index
      %swap3A_147 = tpu.vector_load %arg12[%swap3A_146] {strides = array<i32>} : memref<1024xf32, #tpu.memory_space<vmem>>, vector<16xf32>,
      tpu.vector_store %arg12[%swap3A_146], %add3A_145 {strides = array<i32>} : memref<1024xf32, #tpu.memory_space<vmem>>, vector<16xf32>,
      %bitcast_convert_type3A_148 = tpu.bitcast %get3A_136 : vector<16xf32> -> vector<16xi32>
      %add3A_149 = arith.constant 32767 : i32
      %add3A_150 = vector.broadcast %add3A_149 : i32 to vector<16xi32>
      %add3A_151 = arith.addi %bitcast_convert_type3A_148, %add3A_150 : vector<16xi32>
      %shift_right_arithmetic3A_152 = arith.constant 16 : i32
      %shift_right_arithmetic3A_153 = vector.broadcast %shift_right_arithmetic3A_152 : i32 to vector<16xi32>
      %shift_right_arithmetic3A_154 = arith.shrsi %bitcast_convert_type3A_148, %shift_right_arithmetic3A_153 : vector<16xi32>
      %and3A_155 = arith.constant 1 : i32
      %and3A_156 = vector.broadcast %and3A_155 : i32 to vector<16xi32>
      %and3A_157 = arith.andi %shift_right_arithmetic3A_154, %and3A_156 : vector<16xi32>
      %add3A_158 = arith.addi %add3A_151, %and3A_157 : vector<16xi32>
      %and3A_159 = arith.constant -65536 : i32
      %and3A_160 = vector.broadcast %and3A_159 : i32 to vector<16xi32>
      %and3A_161 = arith.andi %add3A_158, %and3A_160 : vector<16xi32>
      %bitcast_convert_type3A_162 = tpu.bitcast %and3A_161 : vector<16xi32> -> vector<16xf32>
      %mul3A_163 = arith.constant -2.000000e+00 : f32
      %mul3A_164 = vector.broadcast %mul3A_163 : f32 to vector<16xf32>
      %mul3A_165 = arith.mulf %mul3A_164, %bitcast_convert_type3A_162 : vector<16xf32>
      %swap3A_166 = arith.index_cast %mul3A_134 : i32 to index
      %swap3A_167 = tpu.vector_load %arg6[%swap3A_166] {strides = array<i32>} : memref<1024xf32, #tpu.memory_space<vmem>>, vector<16xf32>,
      tpu.vector_store %arg6[%swap3A_166], %mul3A_165 {strides = array<i32>} : memref<1024xf32, #tpu.memory_space<vmem>>, vector<16xf32>,
      %bitcast_convert_type3A_168 = tpu.bitcast %get3A_138 : vector<16xf32> -> vector<16xi32>
      %add3A_169 = arith.constant 32767 : i32
      %add3A_170 = vector.broadcast %add3A_169 : i32 to vector<16xi32>
      %add3A_171 = arith.addi %bitcast_convert_type3A_168, %add3A_170 : vector<16xi32>
      %shift_right_arithmetic3A_172 = arith.constant 16 : i32
      %shift_right_arithmetic3A_173 = vector.broadcast %shift_right_arithmetic3A_172 : i32 to vector<16xi32>
      %shift_right_arithmetic3A_174 = arith.shrsi %bitcast_convert_type3A_168, %shift_right_arithmetic3A_173 : vector<16xi32>
      %and3A_175 = arith.constant 1 : i32
      %and3A_176 = vector.broadcast %and3A_175 : i32 to vector<16xi32>
      %and3A_177 = arith.andi %shift_right_arithmetic3A_174, %and3A_176 : vector<16xi32>
      %add3A_178 = arith.addi %add3A_171, %and3A_177 : vector<16xi32>
      %and3A_179 = arith.constant -65536 : i32
      %and3A_180 = vector.broadcast %and3A_179 : i32 to vector<16xi32>
      %and3A_181 = arith.andi %add3A_178, %and3A_180 : vector<16xi32>
      %bitcast_convert_type3A_182 = tpu.bitcast %and3A_181 : vector<16xi32> -> vector<16xf32>
      %mul3A_183 = arith.constant -2.000000e+00 : f32
      %mul3A_184 = vector.broadcast %mul3A_183 : f32 to vector<16xf32>
      %mul3A_185 = arith.mulf %mul3A_184, %bitcast_convert_type3A_182 : vector<16xf32>
      %swap3A_186 = arith.index_cast %mul3A_134 : i32 to index
      %swap3A_187 = tpu.vector_load %arg7[%swap3A_186] {strides = array<i32>} : memref<1024xf32, #tpu.memory_space<vmem>>, vector<16xf32>,
      tpu.vector_store %arg7[%swap3A_186], %mul3A_185 {strides = array<i32>} : memref<1024xf32, #tpu.memory_space<vmem>>, vector<16xf32>,
      %bitcast_convert_type3A_188 = tpu.bitcast %get3A_140 : vector<16xf32> -> vector<16xi32>
      %add3A_189 = arith.constant 32767 : i32
      %add3A_190 = vector.broadcast %add3A_189 : i32 to vector<16xi32>
      %add3A_191 = arith.addi %bitcast_convert_type3A_188, %add3A_190 : vector<16xi32>
      %shift_right_arithmetic3A_192 = arith.constant 16 : i32
      %shift_right_arithmetic3A_193 = vector.broadcast %shift_right_arithmetic3A_192 : i32 to vector<16xi32>
      %shift_right_arithmetic3A_194 = arith.shrsi %bitcast_convert_type3A_188, %shift_right_arithmetic3A_193 : vector<16xi32>
      %and3A_195 = arith.constant 1 : i32
      %and3A_196 = vector.broadcast %and3A_195 : i32 to vector<16xi32>
      %and3A_197 = arith.andi %shift_right_arithmetic3A_194, %and3A_196 : vector<16xi32>
      %add3A_198 = arith.addi %add3A_191, %and3A_197 : vector<16xi32>
      %and3A_199 = arith.constant -65536 : i32
      %and3A_200 = vector.broadcast %and3A_199 : i32 to vector<16xi32>
      %and3A_201 = arith.andi %add3A_198, %and3A_200 : vector<16xi32>
      %bitcast_convert_type3A_202 = tpu.bitcast %and3A_201 : vector<16xi32> -> vector<16xf32>
      %mul3A_203 = arith.constant -2.000000e+00 : f32
      %mul3A_204 = vector.broadcast %mul3A_203 : f32 to vector<16xf32>
      %mul3A_205 = arith.mulf %mul3A_204, %bitcast_convert_type3A_202 : vector<16xf32>
      %swap3A_206 = arith.index_cast %mul3A_134 : i32 to index
      %swap3A_207 = tpu.vector_load %arg8[%swap3A_206] {strides = array<i32>} : memref<1024xf32, #tpu.memory_space<vmem>>, vector<16xf32>,
      tpu.vector_store %arg8[%swap3A_206], %mul3A_205 {strides = array<i32>} : memref<1024xf32, #tpu.memory_space<vmem>>, vector<16xf32>,
      %scan3A_208 = arith.constant 0 : i32
      scf.yield %scan3A_208 : i32
    }
    %scan3A_49 = arith.constant 64 : i32
    %scan3A_50 = arith.constant 0 : i32
    %scan3A_51 = arith.constant 0 : i32
    %scan3A_52 = arith.constant 64 : i32
    %scan3A_53 = arith.addi %scan3A_51, %scan3A_52 : i32
    %scan3A_54 = arith.constant 1 : i32
    %scan3A_55 = scf.for %scan3A_57 = %scan3A_51 to %scan3A_53 step %scan3A_54 iter_args(%scan3A_58 = %scan3A_50) -> (i32)  : i32 {
      %mul3A_59 = arith.constant 16 : i32
      %mul3A_60 = arith.muli %scan3A_57, %mul3A_59 : i32
      %add3A_61 = arith.constant 0 : i32
      %add3A_62 = arith.addi %mul3A_60, %add3A_61 : i32
      %add3A_63 = arith.constant 0 : i32
      %add3A_64 = arith.addi %add3A_62, %add3A_63 : i32
      %broadcast_in_dim3A_65 = vector.broadcast %add3A_64 : i32 to vector<16xi32>
      %gather3A = tpu.vector_load_idx %arg6[%broadcast_in_dim3A_65] : memref<1024xf32, #tpu.memory_space<vmem>>[vector<16xi32>], vector<16xf32>,
      %gather3A_66 = tpu.vector_load_idx %arg7[%broadcast_in_dim3A_65] : memref<1024xf32, #tpu.memory_space<vmem>>[vector<16xi32>], vector<16xf32>,
      %gather3A_67 = tpu.vector_load_idx %arg8[%broadcast_in_dim3A_65] : memref<1024xf32, #tpu.memory_space<vmem>>[vector<16xi32>], vector<16xf32>,
      %gather3A_68 = tpu.vector_load_idx %arg12[%broadcast_in_dim3A_65] : memref<1024xf32, #tpu.memory_space<vmem>>[vector<16xi32>], vector<16xf32>,
      %add3A_69 = arith.constant 0 : i32
      %add3A_70 = arith.addi %mul3A_60, %add3A_69 : i32
      %add3A_71 = arith.constant 1 : i32
      %add3A_72 = arith.addi %add3A_70, %add3A_71 : i32
      %broadcast_in_dim3A_73 = vector.broadcast %add3A_72 : i32 to vector<16xi32>
      %gather3A_74 = tpu.vector_load_idx %arg6[%broadcast_in_dim3A_73] : memref<1024xf32, #tpu.memory_space<vmem>>[vector<16xi32>], vector<16xf32>,
      %gather3A_75 = tpu.vector_load_idx %arg7[%broadcast_in_dim3A_73] : memref<1024xf32, #tpu.memory_space<vmem>>[vector<16xi32>], vector<16xf32>,
      %gather3A_76 = tpu.vector_load_idx %arg8[%broadcast_in_dim3A_73] : memref<1024xf32, #tpu.memory_space<vmem>>[vector<16xi32>], vector<16xf32>,
      %gather3A_77 = tpu.vector_load_idx %arg12[%broadcast_in_dim3A_73] : memref<1024xf32, #tpu.memory_space<vmem>>[vector<16xi32>], vector<16xf32>,
      %add3A_78 = arith.constant 0 : i32
      %add3A_79 = arith.addi %mul3A_60, %add3A_78 : i32
      %add3A_80 = arith.constant 2 : i32
      %add3A_81 = arith.addi %add3A_79, %add3A_80 : i32
      %broadcast_in_dim3A_82 = vector.broadcast %add3A_81 : i32 to vector<16xi32>
      %gather3A_83 = tpu.vector_load_idx %arg6[%broadcast_in_dim3A_82] : memref<1024xf32, #tpu.memory_space<vmem>>[vector<16xi32>], vector<16xf32>,
      %gather3A_84 = tpu.vector_load_idx %arg7[%broadcast_in_dim3A_82] : memref<1024xf32, #tpu.memory_space<vmem>>[vector<16xi32>], vector<16xf32>,
      %gather3A_85 = tpu.vector_load_idx %arg8[%broadcast_in_dim3A_82] : memref<1024xf32, #tpu.memory_space<vmem>>[vector<16xi32>], vector<16xf32>,
      %gather3A_86 = tpu.vector_load_idx %arg12[%broadcast_in_dim3A_82] : memref<1024xf32, #tpu.memory_space<vmem>>[vector<16xi32>], vector<16xf32>,
      %add3A_87 = arith.constant 0 : i32
      %add3A_88 = arith.addi %mul3A_60, %add3A_87 : i32
      %add3A_89 = arith.constant 3 : i32
      %add3A_90 = arith.addi %add3A_88, %add3A_89 : i32
      %broadcast_in_dim3A_91 = vector.broadcast %add3A_90 : i32 to vector<16xi32>
      %gather3A_92 = tpu.vector_load_idx %arg6[%broadcast_in_dim3A_91] : memref<1024xf32, #tpu.memory_space<vmem>>[vector<16xi32>], vector<16xf32>,
      %gather3A_93 = tpu.vector_load_idx %arg7[%broadcast_in_dim3A_91] : memref<1024xf32, #tpu.memory_space<vmem>>[vector<16xi32>], vector<16xf32>,
      %gather3A_94 = tpu.vector_load_idx %arg8[%broadcast_in_dim3A_91] : memref<1024xf32, #tpu.memory_space<vmem>>[vector<16xi32>], vector<16xf32>,
      %gather3A_95 = tpu.vector_load_idx %arg12[%broadcast_in_dim3A_91] : memref<1024xf32, #tpu.memory_space<vmem>>[vector<16xi32>], vector<16xf32>,
      %scan3A_96 = arith.constant 0 : i32
      %scan3A_97 = arith.constant 128 : i32
      %scan3A_98 = arith.addi %scan3A_96, %scan3A_97 : i32
      %scan3A_99 = arith.constant 2 : i32
      %scan3A_100:4 = scf.for %scan3A_373 = %scan3A_96 to %scan3A_98 step %scan3A_99 iter_args(%scan3A_374 = %broadcast_in_dim3A_36, %scan3A_375 = %broadcast_in_dim3A_36, %scan3A_376 = %broadcast_in_dim3A_36, %scan3A_377 = %broadcast_in_dim3A_36) -> (vector<16xf32>, vector<16xf32>, vector<16xf32>, vector<16xf32>)  : i32 {
        %mul3A_378 = arith.constant 16 : i32
        %mul3A_379 = arith.muli %scan3A_373, %mul3A_378 : i32
        %get3A = arith.index_cast %mul3A_379 : i32 to index
        %get3A_380 = tpu.vector_load %arg9[%get3A] {strides = array<i32>} : memref<2048xf32, #tpu.memory_space<vmem>>, vector<16xf32>,
        %get3A_381 = arith.index_cast %mul3A_379 : i32 to index
        %get3A_382 = tpu.vector_load %arg10[%get3A_381] {strides = array<i32>} : memref<2048xf32, #tpu.memory_space<vmem>>, vector<16xf32>,
        %get3A_383 = arith.index_cast %mul3A_379 : i32 to index
        %get3A_384 = tpu.vector_load %arg11[%get3A_383] {strides = array<i32>} : memref<2048xf32, #tpu.memory_space<vmem>>, vector<16xf32>,
        %get3A_385 = arith.index_cast %mul3A_379 : i32 to index
        %get3A_386 = tpu.vector_load %arg13[%get3A_385] {strides = array<i32>} : memref<2048xf32, #tpu.memory_space<vmem>>, vector<16xf32>,
        %get3A_387 = arith.index_cast %mul3A_379 : i32 to index
        %get3A_388 = tpu.vector_load %arg15[%get3A_387] {strides = array<i32>} : memref<2048xf32, #tpu.memory_space<vmem>>, vector<16xf32>,
        %add3A_389 = arith.addf %gather3A_68, %get3A_386 : vector<16xf32>
        %mul3A_390 = arith.mulf %gather3A, %get3A_380 : vector<16xf32>
        %add3A_391 = arith.addf %add3A_389, %mul3A_390 : vector<16xf32>
        %mul3A_392 = arith.mulf %gather3A_66, %get3A_382 : vector<16xf32>
        %add3A_393 = arith.addf %add3A_391, %mul3A_392 : vector<16xf32>
        %mul3A_394 = arith.mulf %gather3A_67, %get3A_384 : vector<16xf32>
        %add3A_395 = arith.addf %add3A_393, %mul3A_394 : vector<16xf32>
        %min3A = arith.minimumf %scan3A_374, %add3A_395 : vector<16xf32>
        %min3A_396 = arith.minimumf %get3A_388, %add3A_395 : vector<16xf32>
        %add3A_397 = arith.addf %gather3A_77, %get3A_386 : vector<16xf32>
        %mul3A_398 = arith.mulf %gather3A_74, %get3A_380 : vector<16xf32>
        %add3A_399 = arith.addf %add3A_397, %mul3A_398 : vector<16xf32>
        %mul3A_400 = arith.mulf %gather3A_75, %get3A_382 : vector<16xf32>
        %add3A_401 = arith.addf %add3A_399, %mul3A_400 : vector<16xf32>
        %mul3A_402 = arith.mulf %gather3A_76, %get3A_384 : vector<16xf32>
        %add3A_403 = arith.addf %add3A_401, %mul3A_402 : vector<16xf32>
        %min3A_404 = arith.minimumf %scan3A_375, %add3A_403 : vector<16xf32>
        %min3A_405 = arith.minimumf %min3A_396, %add3A_403 : vector<16xf32>
        %add3A_406 = arith.addf %gather3A_86, %get3A_386 : vector<16xf32>
        %mul3A_407 = arith.mulf %gather3A_83, %get3A_380 : vector<16xf32>
        %add3A_408 = arith.addf %add3A_406, %mul3A_407 : vector<16xf32>
        %mul3A_409 = arith.mulf %gather3A_84, %get3A_382 : vector<16xf32>
        %add3A_410 = arith.addf %add3A_408, %mul3A_409 : vector<16xf32>
        %mul3A_411 = arith.mulf %gather3A_85, %get3A_384 : vector<16xf32>
        %add3A_412 = arith.addf %add3A_410, %mul3A_411 : vector<16xf32>
        %min3A_413 = arith.minimumf %scan3A_376, %add3A_412 : vector<16xf32>
        %min3A_414 = arith.minimumf %min3A_405, %add3A_412 : vector<16xf32>
        %add3A_415 = arith.addf %gather3A_95, %get3A_386 : vector<16xf32>
        %mul3A_416 = arith.mulf %gather3A_92, %get3A_380 : vector<16xf32>
        %add3A_417 = arith.addf %add3A_415, %mul3A_416 : vector<16xf32>
        %mul3A_418 = arith.mulf %gather3A_93, %get3A_382 : vector<16xf32>
        %add3A_419 = arith.addf %add3A_417, %mul3A_418 : vector<16xf32>
        %mul3A_420 = arith.mulf %gather3A_94, %get3A_384 : vector<16xf32>
        %add3A_421 = arith.addf %add3A_419, %mul3A_420 : vector<16xf32>
        %min3A_422 = arith.minimumf %scan3A_377, %add3A_421 : vector<16xf32>
        %min3A_423 = arith.minimumf %min3A_414, %add3A_421 : vector<16xf32>
        %swap3A_424 = arith.index_cast %mul3A_379 : i32 to index
        %swap3A_425 = tpu.vector_load %arg15[%swap3A_424] {strides = array<i32>} : memref<2048xf32, #tpu.memory_space<vmem>>, vector<16xf32>,
        tpu.vector_store %arg15[%swap3A_424], %min3A_423 {strides = array<i32>} : memref<2048xf32, #tpu.memory_space<vmem>>, vector<16xf32>,
        %scan3A_426 = arith.constant 1 : i32
        %scan3A_427 = arith.addi %scan3A_373, %scan3A_426 : i32
        %mul3A_428 = arith.constant 16 : i32
        %mul3A_429 = arith.muli %scan3A_427, %mul3A_428 : i32
        %get3A_430 = arith.index_cast %mul3A_429 : i32 to index
        %get3A_431 = tpu.vector_load %arg9[%get3A_430] {strides = array<i32>} : memref<2048xf32, #tpu.memory_space<vmem>>, vector<16xf32>,
        %get3A_432 = arith.index_cast %mul3A_429 : i32 to index
        %get3A_433 = tpu.vector_load %arg10[%get3A_432] {strides = array<i32>} : memref<2048xf32, #tpu.memory_space<vmem>>, vector<16xf32>,
        %get3A_434 = arith.index_cast %mul3A_429 : i32 to index
        %get3A_435 = tpu.vector_load %arg11[%get3A_434] {strides = array<i32>} : memref<2048xf32, #tpu.memory_space<vmem>>, vector<16xf32>,
        %get3A_436 = arith.index_cast %mul3A_429 : i32 to index
        %get3A_437 = tpu.vector_load %arg13[%get3A_436] {strides = array<i32>} : memref<2048xf32, #tpu.memory_space<vmem>>, vector<16xf32>,
        %get3A_438 = arith.index_cast %mul3A_429 : i32 to index
        %get3A_439 = tpu.vector_load %arg15[%get3A_438] {strides = array<i32>} : memref<2048xf32, #tpu.memory_space<vmem>>, vector<16xf32>,
        %add3A_440 = arith.addf %gather3A_68, %get3A_437 : vector<16xf32>
        %mul3A_441 = arith.mulf %gather3A, %get3A_431 : vector<16xf32>
        %add3A_442 = arith.addf %add3A_440, %mul3A_441 : vector<16xf32>
        %mul3A_443 = arith.mulf %gather3A_66, %get3A_433 : vector<16xf32>
        %add3A_444 = arith.addf %add3A_442, %mul3A_443 : vector<16xf32>
        %mul3A_445 = arith.mulf %gather3A_67, %get3A_435 : vector<16xf32>
        %add3A_446 = arith.addf %add3A_444, %mul3A_445 : vector<16xf32>
        %min3A_447 = arith.minimumf %min3A, %add3A_446 : vector<16xf32>
        %min3A_448 = arith.minimumf %get3A_439, %add3A_446 : vector<16xf32>
        %add3A_449 = arith.addf %gather3A_77, %get3A_437 : vector<16xf32>
        %mul3A_450 = arith.mulf %gather3A_74, %get3A_431 : vector<16xf32>
        %add3A_451 = arith.addf %add3A_449, %mul3A_450 : vector<16xf32>
        %mul3A_452 = arith.mulf %gather3A_75, %get3A_433 : vector<16xf32>
        %add3A_453 = arith.addf %add3A_451, %mul3A_452 : vector<16xf32>
        %mul3A_454 = arith.mulf %gather3A_76, %get3A_435 : vector<16xf32>
        %add3A_455 = arith.addf %add3A_453, %mul3A_454 : vector<16xf32>
        %min3A_456 = arith.minimumf %min3A_404, %add3A_455 : vector<16xf32>
        %min3A_457 = arith.minimumf %min3A_448, %add3A_455 : vector<16xf32>
        %add3A_458 = arith.addf %gather3A_86, %get3A_437 : vector<16xf32>
        %mul3A_459 = arith.mulf %gather3A_83, %get3A_431 : vector<16xf32>
        %add3A_460 = arith.addf %add3A_458, %mul3A_459 : vector<16xf32>
        %mul3A_461 = arith.mulf %gather3A_84, %get3A_433 : vector<16xf32>
        %add3A_462 = arith.addf %add3A_460, %mul3A_461 : vector<16xf32>
        %mul3A_463 = arith.mulf %gather3A_85, %get3A_435 : vector<16xf32>
        %add3A_464 = arith.addf %add3A_462, %mul3A_463 : vector<16xf32>
        %min3A_465 = arith.minimumf %min3A_413, %add3A_464 : vector<16xf32>
        %min3A_466 = arith.minimumf %min3A_457, %add3A_464 : vector<16xf32>
        %add3A_467 = arith.addf %gather3A_95, %get3A_437 : vector<16xf32>
        %mul3A_468 = arith.mulf %gather3A_92, %get3A_431 : vector<16xf32>
        %add3A_469 = arith.addf %add3A_467, %mul3A_468 : vector<16xf32>
        %mul3A_470 = arith.mulf %gather3A_93, %get3A_433 : vector<16xf32>
        %add3A_471 = arith.addf %add3A_469, %mul3A_470 : vector<16xf32>
        %mul3A_472 = arith.mulf %gather3A_94, %get3A_435 : vector<16xf32>
        %add3A_473 = arith.addf %add3A_471, %mul3A_472 : vector<16xf32>
        %min3A_474 = arith.minimumf %min3A_422, %add3A_473 : vector<16xf32>
        %min3A_475 = arith.minimumf %min3A_466, %add3A_473 : vector<16xf32>
        %swap3A_476 = arith.index_cast %mul3A_429 : i32 to index
        %swap3A_477 = tpu.vector_load %arg15[%swap3A_476] {strides = array<i32>} : memref<2048xf32, #tpu.memory_space<vmem>>, vector<16xf32>,
        tpu.vector_store %arg15[%swap3A_476], %min3A_475 {strides = array<i32>} : memref<2048xf32, #tpu.memory_space<vmem>>, vector<16xf32>,
        scf.yield %min3A_447, %min3A_456, %min3A_465, %min3A_474 : vector<16xf32>, vector<16xf32>, vector<16xf32>, vector<16xf32>
      }
      %scan3A_101 = arith.constant 128 : i32
      %reduce_min3A = arith.constant true
      %reduce_min3A_102 = vector.broadcast %reduce_min3A : i1 to vector<16xi1>
      %reduce_min3A_103 = tpu.scan <min>, %scan3A_100#0 masked %reduce_min3A_102 : vector<16xf32>, vector<16xi1> -> vector<16xf32>
      %reduce_min3A_104 = vector.extract %reduce_min3A_103[15] : f32 from vector<16xf32>
      %eq3A_105 = arith.constant 0 : i32
      %eq3A_106 = vector.broadcast %eq3A_105 : i32 to vector<16xi32>
      %eq3A_107 = arith.cmpi eq, %iota3A, %eq3A_106 : vector<16xi32>
      %broadcast_in_dim3A_108 = vector.broadcast %reduce_min3A_104 : f32 to vector<16xf32>
      %select_n3A_109 = arith.select %eq3A_107, %broadcast_in_dim3A_108, %broadcast_in_dim3A_36 : vector<16xi1>, vector<16xf32>
      %reduce_min3A_110 = arith.constant true
      %reduce_min3A_111 = vector.broadcast %reduce_min3A_110 : i1 to vector<16xi1>
      %reduce_min3A_112 = tpu.scan <min>, %scan3A_100#1 masked %reduce_min3A_111 : vector<16xf32>, vector<16xi1> -> vector<16xf32>
      %reduce_min3A_113 = vector.extract %reduce_min3A_112[15] : f32 from vector<16xf32>
      %eq3A_114 = arith.constant 1 : i32
      %eq3A_115 = vector.broadcast %eq3A_114 : i32 to vector<16xi32>
      %eq3A_116 = arith.cmpi eq, %iota3A, %eq3A_115 : vector<16xi32>
      %broadcast_in_dim3A_117 = vector.broadcast %reduce_min3A_113 : f32 to vector<16xf32>
      %select_n3A_118 = arith.select %eq3A_116, %broadcast_in_dim3A_117, %select_n3A_109 : vector<16xi1>, vector<16xf32>
      %reduce_min3A_119 = arith.constant true
      %reduce_min3A_120 = vector.broadcast %reduce_min3A_119 : i1 to vector<16xi1>
      %reduce_min3A_121 = tpu.scan <min>, %scan3A_100#2 masked %reduce_min3A_120 : vector<16xf32>, vector<16xi1> -> vector<16xf32>
      %reduce_min3A_122 = vector.extract %reduce_min3A_121[15] : f32 from vector<16xf32>
      %eq3A_123 = arith.constant 2 : i32
      %eq3A_124 = vector.broadcast %eq3A_123 : i32 to vector<16xi32>
      %eq3A_125 = arith.cmpi eq, %iota3A, %eq3A_124 : vector<16xi32>
      %broadcast_in_dim3A_126 = vector.broadcast %reduce_min3A_122 : f32 to vector<16xf32>
      %select_n3A_127 = arith.select %eq3A_125, %broadcast_in_dim3A_126, %select_n3A_118 : vector<16xi1>, vector<16xf32>
      %reduce_min3A_128 = arith.constant true
      %reduce_min3A_129 = vector.broadcast %reduce_min3A_128 : i1 to vector<16xi1>
      %reduce_min3A_130 = tpu.scan <min>, %scan3A_100#3 masked %reduce_min3A_129 : vector<16xf32>, vector<16xi1> -> vector<16xf32>
      %reduce_min3A_131 = vector.extract %reduce_min3A_130[15] : f32 from vector<16xf32>
      %eq3A_132 = arith.constant 3 : i32
      %eq3A_133 = vector.broadcast %eq3A_132 : i32 to vector<16xi32>
      %eq3A_134 = arith.cmpi eq, %iota3A, %eq3A_133 : vector<16xi32>
      %broadcast_in_dim3A_135 = vector.broadcast %reduce_min3A_131 : f32 to vector<16xf32>
      %select_n3A_136 = arith.select %eq3A_134, %broadcast_in_dim3A_135, %select_n3A_127 : vector<16xi1>, vector<16xf32>
      %add3A_137 = arith.constant 4 : i32
      %add3A_138 = arith.addi %mul3A_60, %add3A_137 : i32
      %add3A_139 = arith.constant 0 : i32
      %add3A_140 = arith.addi %add3A_138, %add3A_139 : i32
      %broadcast_in_dim3A_141 = vector.broadcast %add3A_140 : i32 to vector<16xi32>
      %gather3A_142 = tpu.vector_load_idx %arg6[%broadcast_in_dim3A_141] : memref<1024xf32, #tpu.memory_space<vmem>>[vector<16xi32>], vector<16xf32>,
      %gather3A_143 = tpu.vector_load_idx %arg7[%broadcast_in_dim3A_141] : memref<1024xf32, #tpu.memory_space<vmem>>[vector<16xi32>], vector<16xf32>,
      %gather3A_144 = tpu.vector_load_idx %arg8[%broadcast_in_dim3A_141] : memref<1024xf32, #tpu.memory_space<vmem>>[vector<16xi32>], vector<16xf32>,
      %gather3A_145 = tpu.vector_load_idx %arg12[%broadcast_in_dim3A_141] : memref<1024xf32, #tpu.memory_space<vmem>>[vector<16xi32>], vector<16xf32>,
      %add3A_146 = arith.constant 4 : i32
      %add3A_147 = arith.addi %mul3A_60, %add3A_146 : i32
      %add3A_148 = arith.constant 1 : i32
      %add3A_149 = arith.addi %add3A_147, %add3A_148 : i32
      %broadcast_in_dim3A_150 = vector.broadcast %add3A_149 : i32 to vector<16xi32>
      %gather3A_151 = tpu.vector_load_idx %arg6[%broadcast_in_dim3A_150] : memref<1024xf32, #tpu.memory_space<vmem>>[vector<16xi32>], vector<16xf32>,
      %gather3A_152 = tpu.vector_load_idx %arg7[%broadcast_in_dim3A_150] : memref<1024xf32, #tpu.memory_space<vmem>>[vector<16xi32>], vector<16xf32>,
      %gather3A_153 = tpu.vector_load_idx %arg8[%broadcast_in_dim3A_150] : memref<1024xf32, #tpu.memory_space<vmem>>[vector<16xi32>], vector<16xf32>,
      %gather3A_154 = tpu.vector_load_idx %arg12[%broadcast_in_dim3A_150] : memref<1024xf32, #tpu.memory_space<vmem>>[vector<16xi32>], vector<16xf32>,
      %add3A_155 = arith.constant 4 : i32
      %add3A_156 = arith.addi %mul3A_60, %add3A_155 : i32
      %add3A_157 = arith.constant 2 : i32
      %add3A_158 = arith.addi %add3A_156, %add3A_157 : i32
      %broadcast_in_dim3A_159 = vector.broadcast %add3A_158 : i32 to vector<16xi32>
      %gather3A_160 = tpu.vector_load_idx %arg6[%broadcast_in_dim3A_159] : memref<1024xf32, #tpu.memory_space<vmem>>[vector<16xi32>], vector<16xf32>,
      %gather3A_161 = tpu.vector_load_idx %arg7[%broadcast_in_dim3A_159] : memref<1024xf32, #tpu.memory_space<vmem>>[vector<16xi32>], vector<16xf32>,
      %gather3A_162 = tpu.vector_load_idx %arg8[%broadcast_in_dim3A_159] : memref<1024xf32, #tpu.memory_space<vmem>>[vector<16xi32>], vector<16xf32>,
      %gather3A_163 = tpu.vector_load_idx %arg12[%broadcast_in_dim3A_159] : memref<1024xf32, #tpu.memory_space<vmem>>[vector<16xi32>], vector<16xf32>,
      %add3A_164 = arith.constant 4 : i32
      %add3A_165 = arith.addi %mul3A_60, %add3A_164 : i32
      %add3A_166 = arith.constant 3 : i32
      %add3A_167 = arith.addi %add3A_165, %add3A_166 : i32
      %broadcast_in_dim3A_168 = vector.broadcast %add3A_167 : i32 to vector<16xi32>
      %gather3A_169 = tpu.vector_load_idx %arg6[%broadcast_in_dim3A_168] : memref<1024xf32, #tpu.memory_space<vmem>>[vector<16xi32>], vector<16xf32>,
      %gather3A_170 = tpu.vector_load_idx %arg7[%broadcast_in_dim3A_168] : memref<1024xf32, #tpu.memory_space<vmem>>[vector<16xi32>], vector<16xf32>,
      %gather3A_171 = tpu.vector_load_idx %arg8[%broadcast_in_dim3A_168] : memref<1024xf32, #tpu.memory_space<vmem>>[vector<16xi32>], vector<16xf32>,
      %gather3A_172 = tpu.vector_load_idx %arg12[%broadcast_in_dim3A_168] : memref<1024xf32, #tpu.memory_space<vmem>>[vector<16xi32>], vector<16xf32>,
      %scan3A_173 = arith.constant 0 : i32
      %scan3A_174 = arith.constant 128 : i32
      %scan3A_175 = arith.addi %scan3A_173, %scan3A_174 : i32
      %scan3A_176 = arith.constant 2 : i32
      %scan3A_177:4 = scf.for %scan3A_373 = %scan3A_173 to %scan3A_175 step %scan3A_176 iter_args(%scan3A_374 = %broadcast_in_dim3A_36, %scan3A_375 = %broadcast_in_dim3A_36, %scan3A_376 = %broadcast_in_dim3A_36, %scan3A_377 = %broadcast_in_dim3A_36) -> (vector<16xf32>, vector<16xf32>, vector<16xf32>, vector<16xf32>)  : i32 {
        %mul3A_378 = arith.constant 16 : i32
        %mul3A_379 = arith.muli %scan3A_373, %mul3A_378 : i32
        %get3A = arith.index_cast %mul3A_379 : i32 to index
        %get3A_380 = tpu.vector_load %arg9[%get3A] {strides = array<i32>} : memref<2048xf32, #tpu.memory_space<vmem>>, vector<16xf32>,
        %get3A_381 = arith.index_cast %mul3A_379 : i32 to index
        %get3A_382 = tpu.vector_load %arg10[%get3A_381] {strides = array<i32>} : memref<2048xf32, #tpu.memory_space<vmem>>, vector<16xf32>,
        %get3A_383 = arith.index_cast %mul3A_379 : i32 to index
        %get3A_384 = tpu.vector_load %arg11[%get3A_383] {strides = array<i32>} : memref<2048xf32, #tpu.memory_space<vmem>>, vector<16xf32>,
        %get3A_385 = arith.index_cast %mul3A_379 : i32 to index
        %get3A_386 = tpu.vector_load %arg13[%get3A_385] {strides = array<i32>} : memref<2048xf32, #tpu.memory_space<vmem>>, vector<16xf32>,
        %get3A_387 = arith.index_cast %mul3A_379 : i32 to index
        %get3A_388 = tpu.vector_load %arg15[%get3A_387] {strides = array<i32>} : memref<2048xf32, #tpu.memory_space<vmem>>, vector<16xf32>,
        %add3A_389 = arith.addf %gather3A_145, %get3A_386 : vector<16xf32>
        %mul3A_390 = arith.mulf %gather3A_142, %get3A_380 : vector<16xf32>
        %add3A_391 = arith.addf %add3A_389, %mul3A_390 : vector<16xf32>
        %mul3A_392 = arith.mulf %gather3A_143, %get3A_382 : vector<16xf32>
        %add3A_393 = arith.addf %add3A_391, %mul3A_392 : vector<16xf32>
        %mul3A_394 = arith.mulf %gather3A_144, %get3A_384 : vector<16xf32>
        %add3A_395 = arith.addf %add3A_393, %mul3A_394 : vector<16xf32>
        %min3A = arith.minimumf %scan3A_374, %add3A_395 : vector<16xf32>
        %min3A_396 = arith.minimumf %get3A_388, %add3A_395 : vector<16xf32>
        %add3A_397 = arith.addf %gather3A_154, %get3A_386 : vector<16xf32>
        %mul3A_398 = arith.mulf %gather3A_151, %get3A_380 : vector<16xf32>
        %add3A_399 = arith.addf %add3A_397, %mul3A_398 : vector<16xf32>
        %mul3A_400 = arith.mulf %gather3A_152, %get3A_382 : vector<16xf32>
        %add3A_401 = arith.addf %add3A_399, %mul3A_400 : vector<16xf32>
        %mul3A_402 = arith.mulf %gather3A_153, %get3A_384 : vector<16xf32>
        %add3A_403 = arith.addf %add3A_401, %mul3A_402 : vector<16xf32>
        %min3A_404 = arith.minimumf %scan3A_375, %add3A_403 : vector<16xf32>
        %min3A_405 = arith.minimumf %min3A_396, %add3A_403 : vector<16xf32>
        %add3A_406 = arith.addf %gather3A_163, %get3A_386 : vector<16xf32>
        %mul3A_407 = arith.mulf %gather3A_160, %get3A_380 : vector<16xf32>
        %add3A_408 = arith.addf %add3A_406, %mul3A_407 : vector<16xf32>
        %mul3A_409 = arith.mulf %gather3A_161, %get3A_382 : vector<16xf32>
        %add3A_410 = arith.addf %add3A_408, %mul3A_409 : vector<16xf32>
        %mul3A_411 = arith.mulf %gather3A_162, %get3A_384 : vector<16xf32>
        %add3A_412 = arith.addf %add3A_410, %mul3A_411 : vector<16xf32>
        %min3A_413 = arith.minimumf %scan3A_376, %add3A_412 : vector<16xf32>
        %min3A_414 = arith.minimumf %min3A_405, %add3A_412 : vector<16xf32>
        %add3A_415 = arith.addf %gather3A_172, %get3A_386 : vector<16xf32>
        %mul3A_416 = arith.mulf %gather3A_169, %get3A_380 : vector<16xf32>
        %add3A_417 = arith.addf %add3A_415, %mul3A_416 : vector<16xf32>
        %mul3A_418 = arith.mulf %gather3A_170, %get3A_382 : vector<16xf32>
        %add3A_419 = arith.addf %add3A_417, %mul3A_418 : vector<16xf32>
        %mul3A_420 = arith.mulf %gather3A_171, %get3A_384 : vector<16xf32>
        %add3A_421 = arith.addf %add3A_419, %mul3A_420 : vector<16xf32>
        %min3A_422 = arith.minimumf %scan3A_377, %add3A_421 : vector<16xf32>
        %min3A_423 = arith.minimumf %min3A_414, %add3A_421 : vector<16xf32>
        %swap3A_424 = arith.index_cast %mul3A_379 : i32 to index
        %swap3A_425 = tpu.vector_load %arg15[%swap3A_424] {strides = array<i32>} : memref<2048xf32, #tpu.memory_space<vmem>>, vector<16xf32>,
        tpu.vector_store %arg15[%swap3A_424], %min3A_423 {strides = array<i32>} : memref<2048xf32, #tpu.memory_space<vmem>>, vector<16xf32>,
        %scan3A_426 = arith.constant 1 : i32
        %scan3A_427 = arith.addi %scan3A_373, %scan3A_426 : i32
        %mul3A_428 = arith.constant 16 : i32
        %mul3A_429 = arith.muli %scan3A_427, %mul3A_428 : i32
        %get3A_430 = arith.index_cast %mul3A_429 : i32 to index
        %get3A_431 = tpu.vector_load %arg9[%get3A_430] {strides = array<i32>} : memref<2048xf32, #tpu.memory_space<vmem>>, vector<16xf32>,
        %get3A_432 = arith.index_cast %mul3A_429 : i32 to index
        %get3A_433 = tpu.vector_load %arg10[%get3A_432] {strides = array<i32>} : memref<2048xf32, #tpu.memory_space<vmem>>, vector<16xf32>,
        %get3A_434 = arith.index_cast %mul3A_429 : i32 to index
        %get3A_435 = tpu.vector_load %arg11[%get3A_434] {strides = array<i32>} : memref<2048xf32, #tpu.memory_space<vmem>>, vector<16xf32>,
        %get3A_436 = arith.index_cast %mul3A_429 : i32 to index
        %get3A_437 = tpu.vector_load %arg13[%get3A_436] {strides = array<i32>} : memref<2048xf32, #tpu.memory_space<vmem>>, vector<16xf32>,
        %get3A_438 = arith.index_cast %mul3A_429 : i32 to index
        %get3A_439 = tpu.vector_load %arg15[%get3A_438] {strides = array<i32>} : memref<2048xf32, #tpu.memory_space<vmem>>, vector<16xf32>,
        %add3A_440 = arith.addf %gather3A_145, %get3A_437 : vector<16xf32>
        %mul3A_441 = arith.mulf %gather3A_142, %get3A_431 : vector<16xf32>
        %add3A_442 = arith.addf %add3A_440, %mul3A_441 : vector<16xf32>
        %mul3A_443 = arith.mulf %gather3A_143, %get3A_433 : vector<16xf32>
        %add3A_444 = arith.addf %add3A_442, %mul3A_443 : vector<16xf32>
        %mul3A_445 = arith.mulf %gather3A_144, %get3A_435 : vector<16xf32>
        %add3A_446 = arith.addf %add3A_444, %mul3A_445 : vector<16xf32>
        %min3A_447 = arith.minimumf %min3A, %add3A_446 : vector<16xf32>
        %min3A_448 = arith.minimumf %get3A_439, %add3A_446 : vector<16xf32>
        %add3A_449 = arith.addf %gather3A_154, %get3A_437 : vector<16xf32>
        %mul3A_450 = arith.mulf %gather3A_151, %get3A_431 : vector<16xf32>
        %add3A_451 = arith.addf %add3A_449, %mul3A_450 : vector<16xf32>
        %mul3A_452 = arith.mulf %gather3A_152, %get3A_433 : vector<16xf32>
        %add3A_453 = arith.addf %add3A_451, %mul3A_452 : vector<16xf32>
        %mul3A_454 = arith.mulf %gather3A_153, %get3A_435 : vector<16xf32>
        %add3A_455 = arith.addf %add3A_453, %mul3A_454 : vector<16xf32>
        %min3A_456 = arith.minimumf %min3A_404, %add3A_455 : vector<16xf32>
        %min3A_457 = arith.minimumf %min3A_448, %add3A_455 : vector<16xf32>
        %add3A_458 = arith.addf %gather3A_163, %get3A_437 : vector<16xf32>
        %mul3A_459 = arith.mulf %gather3A_160, %get3A_431 : vector<16xf32>
        %add3A_460 = arith.addf %add3A_458, %mul3A_459 : vector<16xf32>
        %mul3A_461 = arith.mulf %gather3A_161, %get3A_433 : vector<16xf32>
        %add3A_462 = arith.addf %add3A_460, %mul3A_461 : vector<16xf32>
        %mul3A_463 = arith.mulf %gather3A_162, %get3A_435 : vector<16xf32>
        %add3A_464 = arith.addf %add3A_462, %mul3A_463 : vector<16xf32>
        %min3A_465 = arith.minimumf %min3A_413, %add3A_464 : vector<16xf32>
        %min3A_466 = arith.minimumf %min3A_457, %add3A_464 : vector<16xf32>
        %add3A_467 = arith.addf %gather3A_172, %get3A_437 : vector<16xf32>
        %mul3A_468 = arith.mulf %gather3A_169, %get3A_431 : vector<16xf32>
        %add3A_469 = arith.addf %add3A_467, %mul3A_468 : vector<16xf32>
        %mul3A_470 = arith.mulf %gather3A_170, %get3A_433 : vector<16xf32>
        %add3A_471 = arith.addf %add3A_469, %mul3A_470 : vector<16xf32>
        %mul3A_472 = arith.mulf %gather3A_171, %get3A_435 : vector<16xf32>
        %add3A_473 = arith.addf %add3A_471, %mul3A_472 : vector<16xf32>
        %min3A_474 = arith.minimumf %min3A_422, %add3A_473 : vector<16xf32>
        %min3A_475 = arith.minimumf %min3A_466, %add3A_473 : vector<16xf32>
        %swap3A_476 = arith.index_cast %mul3A_429 : i32 to index
        %swap3A_477 = tpu.vector_load %arg15[%swap3A_476] {strides = array<i32>} : memref<2048xf32, #tpu.memory_space<vmem>>, vector<16xf32>,
        tpu.vector_store %arg15[%swap3A_476], %min3A_475 {strides = array<i32>} : memref<2048xf32, #tpu.memory_space<vmem>>, vector<16xf32>,
        scf.yield %min3A_447, %min3A_456, %min3A_465, %min3A_474 : vector<16xf32>, vector<16xf32>, vector<16xf32>, vector<16xf32>
      }
      %scan3A_178 = arith.constant 128 : i32
      %reduce_min3A_179 = arith.constant true
      %reduce_min3A_180 = vector.broadcast %reduce_min3A_179 : i1 to vector<16xi1>
      %reduce_min3A_181 = tpu.scan <min>, %scan3A_177#0 masked %reduce_min3A_180 : vector<16xf32>, vector<16xi1> -> vector<16xf32>
      %reduce_min3A_182 = vector.extract %reduce_min3A_181[15] : f32 from vector<16xf32>
      %eq3A_183 = arith.constant 4 : i32
      %eq3A_184 = vector.broadcast %eq3A_183 : i32 to vector<16xi32>
      %eq3A_185 = arith.cmpi eq, %iota3A, %eq3A_184 : vector<16xi32>
      %broadcast_in_dim3A_186 = vector.broadcast %reduce_min3A_182 : f32 to vector<16xf32>
      %select_n3A_187 = arith.select %eq3A_185, %broadcast_in_dim3A_186, %select_n3A_136 : vector<16xi1>, vector<16xf32>
      %reduce_min3A_188 = arith.constant true
      %reduce_min3A_189 = vector.broadcast %reduce_min3A_188 : i1 to vector<16xi1>
      %reduce_min3A_190 = tpu.scan <min>, %scan3A_177#1 masked %reduce_min3A_189 : vector<16xf32>, vector<16xi1> -> vector<16xf32>
      %reduce_min3A_191 = vector.extract %reduce_min3A_190[15] : f32 from vector<16xf32>
      %eq3A_192 = arith.constant 5 : i32
      %eq3A_193 = vector.broadcast %eq3A_192 : i32 to vector<16xi32>
      %eq3A_194 = arith.cmpi eq, %iota3A, %eq3A_193 : vector<16xi32>
      %broadcast_in_dim3A_195 = vector.broadcast %reduce_min3A_191 : f32 to vector<16xf32>
      %select_n3A_196 = arith.select %eq3A_194, %broadcast_in_dim3A_195, %select_n3A_187 : vector<16xi1>, vector<16xf32>
      %reduce_min3A_197 = arith.constant true
      %reduce_min3A_198 = vector.broadcast %reduce_min3A_197 : i1 to vector<16xi1>
      %reduce_min3A_199 = tpu.scan <min>, %scan3A_177#2 masked %reduce_min3A_198 : vector<16xf32>, vector<16xi1> -> vector<16xf32>
      %reduce_min3A_200 = vector.extract %reduce_min3A_199[15] : f32 from vector<16xf32>
      %eq3A_201 = arith.constant 6 : i32
      %eq3A_202 = vector.broadcast %eq3A_201 : i32 to vector<16xi32>
      %eq3A_203 = arith.cmpi eq, %iota3A, %eq3A_202 : vector<16xi32>
      %broadcast_in_dim3A_204 = vector.broadcast %reduce_min3A_200 : f32 to vector<16xf32>
      %select_n3A_205 = arith.select %eq3A_203, %broadcast_in_dim3A_204, %select_n3A_196 : vector<16xi1>, vector<16xf32>
      %reduce_min3A_206 = arith.constant true
      %reduce_min3A_207 = vector.broadcast %reduce_min3A_206 : i1 to vector<16xi1>
      %reduce_min3A_208 = tpu.scan <min>, %scan3A_177#3 masked %reduce_min3A_207 : vector<16xf32>, vector<16xi1> -> vector<16xf32>
      %reduce_min3A_209 = vector.extract %reduce_min3A_208[15] : f32 from vector<16xf32>
      %eq3A_210 = arith.constant 7 : i32
      %eq3A_211 = vector.broadcast %eq3A_210 : i32 to vector<16xi32>
      %eq3A_212 = arith.cmpi eq, %iota3A, %eq3A_211 : vector<16xi32>
      %broadcast_in_dim3A_213 = vector.broadcast %reduce_min3A_209 : f32 to vector<16xf32>
      %select_n3A_214 = arith.select %eq3A_212, %broadcast_in_dim3A_213, %select_n3A_205 : vector<16xi1>, vector<16xf32>
      %add3A_215 = arith.constant 8 : i32
      %add3A_216 = arith.addi %mul3A_60, %add3A_215 : i32
      %add3A_217 = arith.constant 0 : i32
      %add3A_218 = arith.addi %add3A_216, %add3A_217 : i32
      %broadcast_in_dim3A_219 = vector.broadcast %add3A_218 : i32 to vector<16xi32>
      %gather3A_220 = tpu.vector_load_idx %arg6[%broadcast_in_dim3A_219] : memref<1024xf32, #tpu.memory_space<vmem>>[vector<16xi32>], vector<16xf32>,
      %gather3A_221 = tpu.vector_load_idx %arg7[%broadcast_in_dim3A_219] : memref<1024xf32, #tpu.memory_space<vmem>>[vector<16xi32>], vector<16xf32>,
      %gather3A_222 = tpu.vector_load_idx %arg8[%broadcast_in_dim3A_219] : memref<1024xf32, #tpu.memory_space<vmem>>[vector<16xi32>], vector<16xf32>,
      %gather3A_223 = tpu.vector_load_idx %arg12[%broadcast_in_dim3A_219] : memref<1024xf32, #tpu.memory_space<vmem>>[vector<16xi32>], vector<16xf32>,
      %add3A_224 = arith.constant 8 : i32
      %add3A_225 = arith.addi %mul3A_60, %add3A_224 : i32
      %add3A_226 = arith.constant 1 : i32
      %add3A_227 = arith.addi %add3A_225, %add3A_226 : i32
      %broadcast_in_dim3A_228 = vector.broadcast %add3A_227 : i32 to vector<16xi32>
      %gather3A_229 = tpu.vector_load_idx %arg6[%broadcast_in_dim3A_228] : memref<1024xf32, #tpu.memory_space<vmem>>[vector<16xi32>], vector<16xf32>,
      %gather3A_230 = tpu.vector_load_idx %arg7[%broadcast_in_dim3A_228] : memref<1024xf32, #tpu.memory_space<vmem>>[vector<16xi32>], vector<16xf32>,
      %gather3A_231 = tpu.vector_load_idx %arg8[%broadcast_in_dim3A_228] : memref<1024xf32, #tpu.memory_space<vmem>>[vector<16xi32>], vector<16xf32>,
      %gather3A_232 = tpu.vector_load_idx %arg12[%broadcast_in_dim3A_228] : memref<1024xf32, #tpu.memory_space<vmem>>[vector<16xi32>], vector<16xf32>,
      %add3A_233 = arith.constant 8 : i32
      %add3A_234 = arith.addi %mul3A_60, %add3A_233 : i32
      %add3A_235 = arith.constant 2 : i32
      %add3A_236 = arith.addi %add3A_234, %add3A_235 : i32
      %broadcast_in_dim3A_237 = vector.broadcast %add3A_236 : i32 to vector<16xi32>
      %gather3A_238 = tpu.vector_load_idx %arg6[%broadcast_in_dim3A_237] : memref<1024xf32, #tpu.memory_space<vmem>>[vector<16xi32>], vector<16xf32>,
      %gather3A_239 = tpu.vector_load_idx %arg7[%broadcast_in_dim3A_237] : memref<1024xf32, #tpu.memory_space<vmem>>[vector<16xi32>], vector<16xf32>,
      %gather3A_240 = tpu.vector_load_idx %arg8[%broadcast_in_dim3A_237] : memref<1024xf32, #tpu.memory_space<vmem>>[vector<16xi32>], vector<16xf32>,
      %gather3A_241 = tpu.vector_load_idx %arg12[%broadcast_in_dim3A_237] : memref<1024xf32, #tpu.memory_space<vmem>>[vector<16xi32>], vector<16xf32>,
      %add3A_242 = arith.constant 8 : i32
      %add3A_243 = arith.addi %mul3A_60, %add3A_242 : i32
      %add3A_244 = arith.constant 3 : i32
      %add3A_245 = arith.addi %add3A_243, %add3A_244 : i32
      %broadcast_in_dim3A_246 = vector.broadcast %add3A_245 : i32 to vector<16xi32>
      %gather3A_247 = tpu.vector_load_idx %arg6[%broadcast_in_dim3A_246] : memref<1024xf32, #tpu.memory_space<vmem>>[vector<16xi32>], vector<16xf32>,
      %gather3A_248 = tpu.vector_load_idx %arg7[%broadcast_in_dim3A_246] : memref<1024xf32, #tpu.memory_space<vmem>>[vector<16xi32>], vector<16xf32>,
      %gather3A_249 = tpu.vector_load_idx %arg8[%broadcast_in_dim3A_246] : memref<1024xf32, #tpu.memory_space<vmem>>[vector<16xi32>], vector<16xf32>,
      %gather3A_250 = tpu.vector_load_idx %arg12[%broadcast_in_dim3A_246] : memref<1024xf32, #tpu.memory_space<vmem>>[vector<16xi32>], vector<16xf32>,
      %scan3A_251 = arith.constant 0 : i32
      %scan3A_252 = arith.constant 128 : i32
      %scan3A_253 = arith.addi %scan3A_251, %scan3A_252 : i32
      %scan3A_254 = arith.constant 2 : i32
      %scan3A_255:4 = scf.for %scan3A_373 = %scan3A_251 to %scan3A_253 step %scan3A_254 iter_args(%scan3A_374 = %broadcast_in_dim3A_36, %scan3A_375 = %broadcast_in_dim3A_36, %scan3A_376 = %broadcast_in_dim3A_36, %scan3A_377 = %broadcast_in_dim3A_36) -> (vector<16xf32>, vector<16xf32>, vector<16xf32>, vector<16xf32>)  : i32 {
        %mul3A_378 = arith.constant 16 : i32
        %mul3A_379 = arith.muli %scan3A_373, %mul3A_378 : i32
        %get3A = arith.index_cast %mul3A_379 : i32 to index
        %get3A_380 = tpu.vector_load %arg9[%get3A] {strides = array<i32>} : memref<2048xf32, #tpu.memory_space<vmem>>, vector<16xf32>,
        %get3A_381 = arith.index_cast %mul3A_379 : i32 to index
        %get3A_382 = tpu.vector_load %arg10[%get3A_381] {strides = array<i32>} : memref<2048xf32, #tpu.memory_space<vmem>>, vector<16xf32>,
        %get3A_383 = arith.index_cast %mul3A_379 : i32 to index
        %get3A_384 = tpu.vector_load %arg11[%get3A_383] {strides = array<i32>} : memref<2048xf32, #tpu.memory_space<vmem>>, vector<16xf32>,
        %get3A_385 = arith.index_cast %mul3A_379 : i32 to index
        %get3A_386 = tpu.vector_load %arg13[%get3A_385] {strides = array<i32>} : memref<2048xf32, #tpu.memory_space<vmem>>, vector<16xf32>,
        %get3A_387 = arith.index_cast %mul3A_379 : i32 to index
        %get3A_388 = tpu.vector_load %arg15[%get3A_387] {strides = array<i32>} : memref<2048xf32, #tpu.memory_space<vmem>>, vector<16xf32>,
        %add3A_389 = arith.addf %gather3A_223, %get3A_386 : vector<16xf32>
        %mul3A_390 = arith.mulf %gather3A_220, %get3A_380 : vector<16xf32>
        %add3A_391 = arith.addf %add3A_389, %mul3A_390 : vector<16xf32>
        %mul3A_392 = arith.mulf %gather3A_221, %get3A_382 : vector<16xf32>
        %add3A_393 = arith.addf %add3A_391, %mul3A_392 : vector<16xf32>
        %mul3A_394 = arith.mulf %gather3A_222, %get3A_384 : vector<16xf32>
        %add3A_395 = arith.addf %add3A_393, %mul3A_394 : vector<16xf32>
        %min3A = arith.minimumf %scan3A_374, %add3A_395 : vector<16xf32>
        %min3A_396 = arith.minimumf %get3A_388, %add3A_395 : vector<16xf32>
        %add3A_397 = arith.addf %gather3A_232, %get3A_386 : vector<16xf32>
        %mul3A_398 = arith.mulf %gather3A_229, %get3A_380 : vector<16xf32>
        %add3A_399 = arith.addf %add3A_397, %mul3A_398 : vector<16xf32>
        %mul3A_400 = arith.mulf %gather3A_230, %get3A_382 : vector<16xf32>
        %add3A_401 = arith.addf %add3A_399, %mul3A_400 : vector<16xf32>
        %mul3A_402 = arith.mulf %gather3A_231, %get3A_384 : vector<16xf32>
        %add3A_403 = arith.addf %add3A_401, %mul3A_402 : vector<16xf32>
        %min3A_404 = arith.minimumf %scan3A_375, %add3A_403 : vector<16xf32>
        %min3A_405 = arith.minimumf %min3A_396, %add3A_403 : vector<16xf32>
        %add3A_406 = arith.addf %gather3A_241, %get3A_386 : vector<16xf32>
        %mul3A_407 = arith.mulf %gather3A_238, %get3A_380 : vector<16xf32>
        %add3A_408 = arith.addf %add3A_406, %mul3A_407 : vector<16xf32>
        %mul3A_409 = arith.mulf %gather3A_239, %get3A_382 : vector<16xf32>
        %add3A_410 = arith.addf %add3A_408, %mul3A_409 : vector<16xf32>
        %mul3A_411 = arith.mulf %gather3A_240, %get3A_384 : vector<16xf32>
        %add3A_412 = arith.addf %add3A_410, %mul3A_411 : vector<16xf32>
        %min3A_413 = arith.minimumf %scan3A_376, %add3A_412 : vector<16xf32>
        %min3A_414 = arith.minimumf %min3A_405, %add3A_412 : vector<16xf32>
        %add3A_415 = arith.addf %gather3A_250, %get3A_386 : vector<16xf32>
        %mul3A_416 = arith.mulf %gather3A_247, %get3A_380 : vector<16xf32>
        %add3A_417 = arith.addf %add3A_415, %mul3A_416 : vector<16xf32>
        %mul3A_418 = arith.mulf %gather3A_248, %get3A_382 : vector<16xf32>
        %add3A_419 = arith.addf %add3A_417, %mul3A_418 : vector<16xf32>
        %mul3A_420 = arith.mulf %gather3A_249, %get3A_384 : vector<16xf32>
        %add3A_421 = arith.addf %add3A_419, %mul3A_420 : vector<16xf32>
        %min3A_422 = arith.minimumf %scan3A_377, %add3A_421 : vector<16xf32>
        %min3A_423 = arith.minimumf %min3A_414, %add3A_421 : vector<16xf32>
        %swap3A_424 = arith.index_cast %mul3A_379 : i32 to index
        %swap3A_425 = tpu.vector_load %arg15[%swap3A_424] {strides = array<i32>} : memref<2048xf32, #tpu.memory_space<vmem>>, vector<16xf32>,
        tpu.vector_store %arg15[%swap3A_424], %min3A_423 {strides = array<i32>} : memref<2048xf32, #tpu.memory_space<vmem>>, vector<16xf32>,
        %scan3A_426 = arith.constant 1 : i32
        %scan3A_427 = arith.addi %scan3A_373, %scan3A_426 : i32
        %mul3A_428 = arith.constant 16 : i32
        %mul3A_429 = arith.muli %scan3A_427, %mul3A_428 : i32
        %get3A_430 = arith.index_cast %mul3A_429 : i32 to index
        %get3A_431 = tpu.vector_load %arg9[%get3A_430] {strides = array<i32>} : memref<2048xf32, #tpu.memory_space<vmem>>, vector<16xf32>,
        %get3A_432 = arith.index_cast %mul3A_429 : i32 to index
        %get3A_433 = tpu.vector_load %arg10[%get3A_432] {strides = array<i32>} : memref<2048xf32, #tpu.memory_space<vmem>>, vector<16xf32>,
        %get3A_434 = arith.index_cast %mul3A_429 : i32 to index
        %get3A_435 = tpu.vector_load %arg11[%get3A_434] {strides = array<i32>} : memref<2048xf32, #tpu.memory_space<vmem>>, vector<16xf32>,
        %get3A_436 = arith.index_cast %mul3A_429 : i32 to index
        %get3A_437 = tpu.vector_load %arg13[%get3A_436] {strides = array<i32>} : memref<2048xf32, #tpu.memory_space<vmem>>, vector<16xf32>,
        %get3A_438 = arith.index_cast %mul3A_429 : i32 to index
        %get3A_439 = tpu.vector_load %arg15[%get3A_438] {strides = array<i32>} : memref<2048xf32, #tpu.memory_space<vmem>>, vector<16xf32>,
        %add3A_440 = arith.addf %gather3A_223, %get3A_437 : vector<16xf32>
        %mul3A_441 = arith.mulf %gather3A_220, %get3A_431 : vector<16xf32>
        %add3A_442 = arith.addf %add3A_440, %mul3A_441 : vector<16xf32>
        %mul3A_443 = arith.mulf %gather3A_221, %get3A_433 : vector<16xf32>
        %add3A_444 = arith.addf %add3A_442, %mul3A_443 : vector<16xf32>
        %mul3A_445 = arith.mulf %gather3A_222, %get3A_435 : vector<16xf32>
        %add3A_446 = arith.addf %add3A_444, %mul3A_445 : vector<16xf32>
        %min3A_447 = arith.minimumf %min3A, %add3A_446 : vector<16xf32>
        %min3A_448 = arith.minimumf %get3A_439, %add3A_446 : vector<16xf32>
        %add3A_449 = arith.addf %gather3A_232, %get3A_437 : vector<16xf32>
        %mul3A_450 = arith.mulf %gather3A_229, %get3A_431 : vector<16xf32>
        %add3A_451 = arith.addf %add3A_449, %mul3A_450 : vector<16xf32>
        %mul3A_452 = arith.mulf %gather3A_230, %get3A_433 : vector<16xf32>
        %add3A_453 = arith.addf %add3A_451, %mul3A_452 : vector<16xf32>
        %mul3A_454 = arith.mulf %gather3A_231, %get3A_435 : vector<16xf32>
        %add3A_455 = arith.addf %add3A_453, %mul3A_454 : vector<16xf32>
        %min3A_456 = arith.minimumf %min3A_404, %add3A_455 : vector<16xf32>
        %min3A_457 = arith.minimumf %min3A_448, %add3A_455 : vector<16xf32>
        %add3A_458 = arith.addf %gather3A_241, %get3A_437 : vector<16xf32>
        %mul3A_459 = arith.mulf %gather3A_238, %get3A_431 : vector<16xf32>
        %add3A_460 = arith.addf %add3A_458, %mul3A_459 : vector<16xf32>
        %mul3A_461 = arith.mulf %gather3A_239, %get3A_433 : vector<16xf32>
        %add3A_462 = arith.addf %add3A_460, %mul3A_461 : vector<16xf32>
        %mul3A_463 = arith.mulf %gather3A_240, %get3A_435 : vector<16xf32>
        %add3A_464 = arith.addf %add3A_462, %mul3A_463 : vector<16xf32>
        %min3A_465 = arith.minimumf %min3A_413, %add3A_464 : vector<16xf32>
        %min3A_466 = arith.minimumf %min3A_457, %add3A_464 : vector<16xf32>
        %add3A_467 = arith.addf %gather3A_250, %get3A_437 : vector<16xf32>
        %mul3A_468 = arith.mulf %gather3A_247, %get3A_431 : vector<16xf32>
        %add3A_469 = arith.addf %add3A_467, %mul3A_468 : vector<16xf32>
        %mul3A_470 = arith.mulf %gather3A_248, %get3A_433 : vector<16xf32>
        %add3A_471 = arith.addf %add3A_469, %mul3A_470 : vector<16xf32>
        %mul3A_472 = arith.mulf %gather3A_249, %get3A_435 : vector<16xf32>
        %add3A_473 = arith.addf %add3A_471, %mul3A_472 : vector<16xf32>
        %min3A_474 = arith.minimumf %min3A_422, %add3A_473 : vector<16xf32>
        %min3A_475 = arith.minimumf %min3A_466, %add3A_473 : vector<16xf32>
        %swap3A_476 = arith.index_cast %mul3A_429 : i32 to index
        %swap3A_477 = tpu.vector_load %arg15[%swap3A_476] {strides = array<i32>} : memref<2048xf32, #tpu.memory_space<vmem>>, vector<16xf32>,
        tpu.vector_store %arg15[%swap3A_476], %min3A_475 {strides = array<i32>} : memref<2048xf32, #tpu.memory_space<vmem>>, vector<16xf32>,
        scf.yield %min3A_447, %min3A_456, %min3A_465, %min3A_474 : vector<16xf32>, vector<16xf32>, vector<16xf32>, vector<16xf32>
      }
      %scan3A_256 = arith.constant 128 : i32
      %reduce_min3A_257 = arith.constant true
      %reduce_min3A_258 = vector.broadcast %reduce_min3A_257 : i1 to vector<16xi1>
      %reduce_min3A_259 = tpu.scan <min>, %scan3A_255#0 masked %reduce_min3A_258 : vector<16xf32>, vector<16xi1> -> vector<16xf32>
      %reduce_min3A_260 = vector.extract %reduce_min3A_259[15] : f32 from vector<16xf32>
      %eq3A_261 = arith.constant 8 : i32
      %eq3A_262 = vector.broadcast %eq3A_261 : i32 to vector<16xi32>
      %eq3A_263 = arith.cmpi eq, %iota3A, %eq3A_262 : vector<16xi32>
      %broadcast_in_dim3A_264 = vector.broadcast %reduce_min3A_260 : f32 to vector<16xf32>
      %select_n3A_265 = arith.select %eq3A_263, %broadcast_in_dim3A_264, %select_n3A_214 : vector<16xi1>, vector<16xf32>
      %reduce_min3A_266 = arith.constant true
      %reduce_min3A_267 = vector.broadcast %reduce_min3A_266 : i1 to vector<16xi1>
      %reduce_min3A_268 = tpu.scan <min>, %scan3A_255#1 masked %reduce_min3A_267 : vector<16xf32>, vector<16xi1> -> vector<16xf32>
      %reduce_min3A_269 = vector.extract %reduce_min3A_268[15] : f32 from vector<16xf32>
      %eq3A_270 = arith.constant 9 : i32
      %eq3A_271 = vector.broadcast %eq3A_270 : i32 to vector<16xi32>
      %eq3A_272 = arith.cmpi eq, %iota3A, %eq3A_271 : vector<16xi32>
      %broadcast_in_dim3A_273 = vector.broadcast %reduce_min3A_269 : f32 to vector<16xf32>
      %select_n3A_274 = arith.select %eq3A_272, %broadcast_in_dim3A_273, %select_n3A_265 : vector<16xi1>, vector<16xf32>
      %reduce_min3A_275 = arith.constant true
      %reduce_min3A_276 = vector.broadcast %reduce_min3A_275 : i1 to vector<16xi1>
      %reduce_min3A_277 = tpu.scan <min>, %scan3A_255#2 masked %reduce_min3A_276 : vector<16xf32>, vector<16xi1> -> vector<16xf32>
      %reduce_min3A_278 = vector.extract %reduce_min3A_277[15] : f32 from vector<16xf32>
      %eq3A_279 = arith.constant 10 : i32
      %eq3A_280 = vector.broadcast %eq3A_279 : i32 to vector<16xi32>
      %eq3A_281 = arith.cmpi eq, %iota3A, %eq3A_280 : vector<16xi32>
      %broadcast_in_dim3A_282 = vector.broadcast %reduce_min3A_278 : f32 to vector<16xf32>
      %select_n3A_283 = arith.select %eq3A_281, %broadcast_in_dim3A_282, %select_n3A_274 : vector<16xi1>, vector<16xf32>
      %reduce_min3A_284 = arith.constant true
      %reduce_min3A_285 = vector.broadcast %reduce_min3A_284 : i1 to vector<16xi1>
      %reduce_min3A_286 = tpu.scan <min>, %scan3A_255#3 masked %reduce_min3A_285 : vector<16xf32>, vector<16xi1> -> vector<16xf32>
      %reduce_min3A_287 = vector.extract %reduce_min3A_286[15] : f32 from vector<16xf32>
      %eq3A_288 = arith.constant 11 : i32
      %eq3A_289 = vector.broadcast %eq3A_288 : i32 to vector<16xi32>
      %eq3A_290 = arith.cmpi eq, %iota3A, %eq3A_289 : vector<16xi32>
      %broadcast_in_dim3A_291 = vector.broadcast %reduce_min3A_287 : f32 to vector<16xf32>
      %select_n3A_292 = arith.select %eq3A_290, %broadcast_in_dim3A_291, %select_n3A_283 : vector<16xi1>, vector<16xf32>
      %add3A_293 = arith.constant 12 : i32
      %add3A_294 = arith.addi %mul3A_60, %add3A_293 : i32
      %add3A_295 = arith.constant 0 : i32
      %add3A_296 = arith.addi %add3A_294, %add3A_295 : i32
      %broadcast_in_dim3A_297 = vector.broadcast %add3A_296 : i32 to vector<16xi32>
      %gather3A_298 = tpu.vector_load_idx %arg6[%broadcast_in_dim3A_297] : memref<1024xf32, #tpu.memory_space<vmem>>[vector<16xi32>], vector<16xf32>,
      %gather3A_299 = tpu.vector_load_idx %arg7[%broadcast_in_dim3A_297] : memref<1024xf32, #tpu.memory_space<vmem>>[vector<16xi32>], vector<16xf32>,
      %gather3A_300 = tpu.vector_load_idx %arg8[%broadcast_in_dim3A_297] : memref<1024xf32, #tpu.memory_space<vmem>>[vector<16xi32>], vector<16xf32>,
      %gather3A_301 = tpu.vector_load_idx %arg12[%broadcast_in_dim3A_297] : memref<1024xf32, #tpu.memory_space<vmem>>[vector<16xi32>], vector<16xf32>,
      %add3A_302 = arith.constant 12 : i32
      %add3A_303 = arith.addi %mul3A_60, %add3A_302 : i32
      %add3A_304 = arith.constant 1 : i32
      %add3A_305 = arith.addi %add3A_303, %add3A_304 : i32
      %broadcast_in_dim3A_306 = vector.broadcast %add3A_305 : i32 to vector<16xi32>
      %gather3A_307 = tpu.vector_load_idx %arg6[%broadcast_in_dim3A_306] : memref<1024xf32, #tpu.memory_space<vmem>>[vector<16xi32>], vector<16xf32>,
      %gather3A_308 = tpu.vector_load_idx %arg7[%broadcast_in_dim3A_306] : memref<1024xf32, #tpu.memory_space<vmem>>[vector<16xi32>], vector<16xf32>,
      %gather3A_309 = tpu.vector_load_idx %arg8[%broadcast_in_dim3A_306] : memref<1024xf32, #tpu.memory_space<vmem>>[vector<16xi32>], vector<16xf32>,
      %gather3A_310 = tpu.vector_load_idx %arg12[%broadcast_in_dim3A_306] : memref<1024xf32, #tpu.memory_space<vmem>>[vector<16xi32>], vector<16xf32>,
      %add3A_311 = arith.constant 12 : i32
      %add3A_312 = arith.addi %mul3A_60, %add3A_311 : i32
      %add3A_313 = arith.constant 2 : i32
      %add3A_314 = arith.addi %add3A_312, %add3A_313 : i32
      %broadcast_in_dim3A_315 = vector.broadcast %add3A_314 : i32 to vector<16xi32>
      %gather3A_316 = tpu.vector_load_idx %arg6[%broadcast_in_dim3A_315] : memref<1024xf32, #tpu.memory_space<vmem>>[vector<16xi32>], vector<16xf32>,
      %gather3A_317 = tpu.vector_load_idx %arg7[%broadcast_in_dim3A_315] : memref<1024xf32, #tpu.memory_space<vmem>>[vector<16xi32>], vector<16xf32>,
      %gather3A_318 = tpu.vector_load_idx %arg8[%broadcast_in_dim3A_315] : memref<1024xf32, #tpu.memory_space<vmem>>[vector<16xi32>], vector<16xf32>,
      %gather3A_319 = tpu.vector_load_idx %arg12[%broadcast_in_dim3A_315] : memref<1024xf32, #tpu.memory_space<vmem>>[vector<16xi32>], vector<16xf32>,
      %add3A_320 = arith.constant 12 : i32
      %add3A_321 = arith.addi %mul3A_60, %add3A_320 : i32
      %add3A_322 = arith.constant 3 : i32
      %add3A_323 = arith.addi %add3A_321, %add3A_322 : i32
      %broadcast_in_dim3A_324 = vector.broadcast %add3A_323 : i32 to vector<16xi32>
      %gather3A_325 = tpu.vector_load_idx %arg6[%broadcast_in_dim3A_324] : memref<1024xf32, #tpu.memory_space<vmem>>[vector<16xi32>], vector<16xf32>,
      %gather3A_326 = tpu.vector_load_idx %arg7[%broadcast_in_dim3A_324] : memref<1024xf32, #tpu.memory_space<vmem>>[vector<16xi32>], vector<16xf32>,
      %gather3A_327 = tpu.vector_load_idx %arg8[%broadcast_in_dim3A_324] : memref<1024xf32, #tpu.memory_space<vmem>>[vector<16xi32>], vector<16xf32>,
      %gather3A_328 = tpu.vector_load_idx %arg12[%broadcast_in_dim3A_324] : memref<1024xf32, #tpu.memory_space<vmem>>[vector<16xi32>], vector<16xf32>,
      %scan3A_329 = arith.constant 0 : i32
      %scan3A_330 = arith.constant 128 : i32
      %scan3A_331 = arith.addi %scan3A_329, %scan3A_330 : i32
      %scan3A_332 = arith.constant 2 : i32
      %scan3A_333:4 = scf.for %scan3A_373 = %scan3A_329 to %scan3A_331 step %scan3A_332 iter_args(%scan3A_374 = %broadcast_in_dim3A_36, %scan3A_375 = %broadcast_in_dim3A_36, %scan3A_376 = %broadcast_in_dim3A_36, %scan3A_377 = %broadcast_in_dim3A_36) -> (vector<16xf32>, vector<16xf32>, vector<16xf32>, vector<16xf32>)  : i32 {
        %mul3A_378 = arith.constant 16 : i32
        %mul3A_379 = arith.muli %scan3A_373, %mul3A_378 : i32
        %get3A = arith.index_cast %mul3A_379 : i32 to index
        %get3A_380 = tpu.vector_load %arg9[%get3A] {strides = array<i32>} : memref<2048xf32, #tpu.memory_space<vmem>>, vector<16xf32>,
        %get3A_381 = arith.index_cast %mul3A_379 : i32 to index
        %get3A_382 = tpu.vector_load %arg10[%get3A_381] {strides = array<i32>} : memref<2048xf32, #tpu.memory_space<vmem>>, vector<16xf32>,
        %get3A_383 = arith.index_cast %mul3A_379 : i32 to index
        %get3A_384 = tpu.vector_load %arg11[%get3A_383] {strides = array<i32>} : memref<2048xf32, #tpu.memory_space<vmem>>, vector<16xf32>,
        %get3A_385 = arith.index_cast %mul3A_379 : i32 to index
        %get3A_386 = tpu.vector_load %arg13[%get3A_385] {strides = array<i32>} : memref<2048xf32, #tpu.memory_space<vmem>>, vector<16xf32>,
        %get3A_387 = arith.index_cast %mul3A_379 : i32 to index
        %get3A_388 = tpu.vector_load %arg15[%get3A_387] {strides = array<i32>} : memref<2048xf32, #tpu.memory_space<vmem>>, vector<16xf32>,
        %add3A_389 = arith.addf %gather3A_301, %get3A_386 : vector<16xf32>
        %mul3A_390 = arith.mulf %gather3A_298, %get3A_380 : vector<16xf32>
        %add3A_391 = arith.addf %add3A_389, %mul3A_390 : vector<16xf32>
        %mul3A_392 = arith.mulf %gather3A_299, %get3A_382 : vector<16xf32>
        %add3A_393 = arith.addf %add3A_391, %mul3A_392 : vector<16xf32>
        %mul3A_394 = arith.mulf %gather3A_300, %get3A_384 : vector<16xf32>
        %add3A_395 = arith.addf %add3A_393, %mul3A_394 : vector<16xf32>
        %min3A = arith.minimumf %scan3A_374, %add3A_395 : vector<16xf32>
        %min3A_396 = arith.minimumf %get3A_388, %add3A_395 : vector<16xf32>
        %add3A_397 = arith.addf %gather3A_310, %get3A_386 : vector<16xf32>
        %mul3A_398 = arith.mulf %gather3A_307, %get3A_380 : vector<16xf32>
        %add3A_399 = arith.addf %add3A_397, %mul3A_398 : vector<16xf32>
        %mul3A_400 = arith.mulf %gather3A_308, %get3A_382 : vector<16xf32>
        %add3A_401 = arith.addf %add3A_399, %mul3A_400 : vector<16xf32>
        %mul3A_402 = arith.mulf %gather3A_309, %get3A_384 : vector<16xf32>
        %add3A_403 = arith.addf %add3A_401, %mul3A_402 : vector<16xf32>
        %min3A_404 = arith.minimumf %scan3A_375, %add3A_403 : vector<16xf32>
        %min3A_405 = arith.minimumf %min3A_396, %add3A_403 : vector<16xf32>
        %add3A_406 = arith.addf %gather3A_319, %get3A_386 : vector<16xf32>
        %mul3A_407 = arith.mulf %gather3A_316, %get3A_380 : vector<16xf32>
        %add3A_408 = arith.addf %add3A_406, %mul3A_407 : vector<16xf32>
        %mul3A_409 = arith.mulf %gather3A_317, %get3A_382 : vector<16xf32>
        %add3A_410 = arith.addf %add3A_408, %mul3A_409 : vector<16xf32>
        %mul3A_411 = arith.mulf %gather3A_318, %get3A_384 : vector<16xf32>
        %add3A_412 = arith.addf %add3A_410, %mul3A_411 : vector<16xf32>
        %min3A_413 = arith.minimumf %scan3A_376, %add3A_412 : vector<16xf32>
        %min3A_414 = arith.minimumf %min3A_405, %add3A_412 : vector<16xf32>
        %add3A_415 = arith.addf %gather3A_328, %get3A_386 : vector<16xf32>
        %mul3A_416 = arith.mulf %gather3A_325, %get3A_380 : vector<16xf32>
        %add3A_417 = arith.addf %add3A_415, %mul3A_416 : vector<16xf32>
        %mul3A_418 = arith.mulf %gather3A_326, %get3A_382 : vector<16xf32>
        %add3A_419 = arith.addf %add3A_417, %mul3A_418 : vector<16xf32>
        %mul3A_420 = arith.mulf %gather3A_327, %get3A_384 : vector<16xf32>
        %add3A_421 = arith.addf %add3A_419, %mul3A_420 : vector<16xf32>
        %min3A_422 = arith.minimumf %scan3A_377, %add3A_421 : vector<16xf32>
        %min3A_423 = arith.minimumf %min3A_414, %add3A_421 : vector<16xf32>
        %swap3A_424 = arith.index_cast %mul3A_379 : i32 to index
        %swap3A_425 = tpu.vector_load %arg15[%swap3A_424] {strides = array<i32>} : memref<2048xf32, #tpu.memory_space<vmem>>, vector<16xf32>,
        tpu.vector_store %arg15[%swap3A_424], %min3A_423 {strides = array<i32>} : memref<2048xf32, #tpu.memory_space<vmem>>, vector<16xf32>,
        %scan3A_426 = arith.constant 1 : i32
        %scan3A_427 = arith.addi %scan3A_373, %scan3A_426 : i32
        %mul3A_428 = arith.constant 16 : i32
        %mul3A_429 = arith.muli %scan3A_427, %mul3A_428 : i32
        %get3A_430 = arith.index_cast %mul3A_429 : i32 to index
        %get3A_431 = tpu.vector_load %arg9[%get3A_430] {strides = array<i32>} : memref<2048xf32, #tpu.memory_space<vmem>>, vector<16xf32>,
        %get3A_432 = arith.index_cast %mul3A_429 : i32 to index
        %get3A_433 = tpu.vector_load %arg10[%get3A_432] {strides = array<i32>} : memref<2048xf32, #tpu.memory_space<vmem>>, vector<16xf32>,
        %get3A_434 = arith.index_cast %mul3A_429 : i32 to index
        %get3A_435 = tpu.vector_load %arg11[%get3A_434] {strides = array<i32>} : memref<2048xf32, #tpu.memory_space<vmem>>, vector<16xf32>,
        %get3A_436 = arith.index_cast %mul3A_429 : i32 to index
        %get3A_437 = tpu.vector_load %arg13[%get3A_436] {strides = array<i32>} : memref<2048xf32, #tpu.memory_space<vmem>>, vector<16xf32>,
        %get3A_438 = arith.index_cast %mul3A_429 : i32 to index
        %get3A_439 = tpu.vector_load %arg15[%get3A_438] {strides = array<i32>} : memref<2048xf32, #tpu.memory_space<vmem>>, vector<16xf32>,
        %add3A_440 = arith.addf %gather3A_301, %get3A_437 : vector<16xf32>
        %mul3A_441 = arith.mulf %gather3A_298, %get3A_431 : vector<16xf32>
        %add3A_442 = arith.addf %add3A_440, %mul3A_441 : vector<16xf32>
        %mul3A_443 = arith.mulf %gather3A_299, %get3A_433 : vector<16xf32>
        %add3A_444 = arith.addf %add3A_442, %mul3A_443 : vector<16xf32>
        %mul3A_445 = arith.mulf %gather3A_300, %get3A_435 : vector<16xf32>
        %add3A_446 = arith.addf %add3A_444, %mul3A_445 : vector<16xf32>
        %min3A_447 = arith.minimumf %min3A, %add3A_446 : vector<16xf32>
        %min3A_448 = arith.minimumf %get3A_439, %add3A_446 : vector<16xf32>
        %add3A_449 = arith.addf %gather3A_310, %get3A_437 : vector<16xf32>
        %mul3A_450 = arith.mulf %gather3A_307, %get3A_431 : vector<16xf32>
        %add3A_451 = arith.addf %add3A_449, %mul3A_450 : vector<16xf32>
        %mul3A_452 = arith.mulf %gather3A_308, %get3A_433 : vector<16xf32>
        %add3A_453 = arith.addf %add3A_451, %mul3A_452 : vector<16xf32>
        %mul3A_454 = arith.mulf %gather3A_309, %get3A_435 : vector<16xf32>
        %add3A_455 = arith.addf %add3A_453, %mul3A_454 : vector<16xf32>
        %min3A_456 = arith.minimumf %min3A_404, %add3A_455 : vector<16xf32>
        %min3A_457 = arith.minimumf %min3A_448, %add3A_455 : vector<16xf32>
        %add3A_458 = arith.addf %gather3A_319, %get3A_437 : vector<16xf32>
        %mul3A_459 = arith.mulf %gather3A_316, %get3A_431 : vector<16xf32>
        %add3A_460 = arith.addf %add3A_458, %mul3A_459 : vector<16xf32>
        %mul3A_461 = arith.mulf %gather3A_317, %get3A_433 : vector<16xf32>
        %add3A_462 = arith.addf %add3A_460, %mul3A_461 : vector<16xf32>
        %mul3A_463 = arith.mulf %gather3A_318, %get3A_435 : vector<16xf32>
        %add3A_464 = arith.addf %add3A_462, %mul3A_463 : vector<16xf32>
        %min3A_465 = arith.minimumf %min3A_413, %add3A_464 : vector<16xf32>
        %min3A_466 = arith.minimumf %min3A_457, %add3A_464 : vector<16xf32>
        %add3A_467 = arith.addf %gather3A_328, %get3A_437 : vector<16xf32>
        %mul3A_468 = arith.mulf %gather3A_325, %get3A_431 : vector<16xf32>
        %add3A_469 = arith.addf %add3A_467, %mul3A_468 : vector<16xf32>
        %mul3A_470 = arith.mulf %gather3A_326, %get3A_433 : vector<16xf32>
        %add3A_471 = arith.addf %add3A_469, %mul3A_470 : vector<16xf32>
        %mul3A_472 = arith.mulf %gather3A_327, %get3A_435 : vector<16xf32>
        %add3A_473 = arith.addf %add3A_471, %mul3A_472 : vector<16xf32>
        %min3A_474 = arith.minimumf %min3A_422, %add3A_473 : vector<16xf32>
        %min3A_475 = arith.minimumf %min3A_466, %add3A_473 : vector<16xf32>
        %swap3A_476 = arith.index_cast %mul3A_429 : i32 to index
        %swap3A_477 = tpu.vector_load %arg15[%swap3A_476] {strides = array<i32>} : memref<2048xf32, #tpu.memory_space<vmem>>, vector<16xf32>,
        tpu.vector_store %arg15[%swap3A_476], %min3A_475 {strides = array<i32>} : memref<2048xf32, #tpu.memory_space<vmem>>, vector<16xf32>,
        scf.yield %min3A_447, %min3A_456, %min3A_465, %min3A_474 : vector<16xf32>, vector<16xf32>, vector<16xf32>, vector<16xf32>
      }
      %scan3A_334 = arith.constant 128 : i32
      %reduce_min3A_335 = arith.constant true
      %reduce_min3A_336 = vector.broadcast %reduce_min3A_335 : i1 to vector<16xi1>
      %reduce_min3A_337 = tpu.scan <min>, %scan3A_333#0 masked %reduce_min3A_336 : vector<16xf32>, vector<16xi1> -> vector<16xf32>
      %reduce_min3A_338 = vector.extract %reduce_min3A_337[15] : f32 from vector<16xf32>
      %eq3A_339 = arith.constant 12 : i32
      %eq3A_340 = vector.broadcast %eq3A_339 : i32 to vector<16xi32>
      %eq3A_341 = arith.cmpi eq, %iota3A, %eq3A_340 : vector<16xi32>
      %broadcast_in_dim3A_342 = vector.broadcast %reduce_min3A_338 : f32 to vector<16xf32>
      %select_n3A_343 = arith.select %eq3A_341, %broadcast_in_dim3A_342, %select_n3A_292 : vector<16xi1>, vector<16xf32>
      %reduce_min3A_344 = arith.constant true
      %reduce_min3A_345 = vector.broadcast %reduce_min3A_344 : i1 to vector<16xi1>
      %reduce_min3A_346 = tpu.scan <min>, %scan3A_333#1 masked %reduce_min3A_345 : vector<16xf32>, vector<16xi1> -> vector<16xf32>
      %reduce_min3A_347 = vector.extract %reduce_min3A_346[15] : f32 from vector<16xf32>
      %eq3A_348 = arith.constant 13 : i32
      %eq3A_349 = vector.broadcast %eq3A_348 : i32 to vector<16xi32>
      %eq3A_350 = arith.cmpi eq, %iota3A, %eq3A_349 : vector<16xi32>
      %broadcast_in_dim3A_351 = vector.broadcast %reduce_min3A_347 : f32 to vector<16xf32>
      %select_n3A_352 = arith.select %eq3A_350, %broadcast_in_dim3A_351, %select_n3A_343 : vector<16xi1>, vector<16xf32>
      %reduce_min3A_353 = arith.constant true
      %reduce_min3A_354 = vector.broadcast %reduce_min3A_353 : i1 to vector<16xi1>
      %reduce_min3A_355 = tpu.scan <min>, %scan3A_333#2 masked %reduce_min3A_354 : vector<16xf32>, vector<16xi1> -> vector<16xf32>
      %reduce_min3A_356 = vector.extract %reduce_min3A_355[15] : f32 from vector<16xf32>
      %eq3A_357 = arith.constant 14 : i32
      %eq3A_358 = vector.broadcast %eq3A_357 : i32 to vector<16xi32>
      %eq3A_359 = arith.cmpi eq, %iota3A, %eq3A_358 : vector<16xi32>
      %broadcast_in_dim3A_360 = vector.broadcast %reduce_min3A_356 : f32 to vector<16xf32>
      %select_n3A_361 = arith.select %eq3A_359, %broadcast_in_dim3A_360, %select_n3A_352 : vector<16xi1>, vector<16xf32>
      %reduce_min3A_362 = arith.constant true
      %reduce_min3A_363 = vector.broadcast %reduce_min3A_362 : i1 to vector<16xi1>
      %reduce_min3A_364 = tpu.scan <min>, %scan3A_333#3 masked %reduce_min3A_363 : vector<16xf32>, vector<16xi1> -> vector<16xf32>
      %reduce_min3A_365 = vector.extract %reduce_min3A_364[15] : f32 from vector<16xf32>
      %eq3A_366 = arith.constant 15 : i32
      %eq3A_367 = vector.broadcast %eq3A_366 : i32 to vector<16xi32>
      %eq3A_368 = arith.cmpi eq, %iota3A, %eq3A_367 : vector<16xi32>
      %broadcast_in_dim3A_369 = vector.broadcast %reduce_min3A_365 : f32 to vector<16xf32>
      %select_n3A_370 = arith.select %eq3A_368, %broadcast_in_dim3A_369, %select_n3A_361 : vector<16xi1>, vector<16xf32>
      %swap3A = arith.index_cast %mul3A_60 : i32 to index
      %swap3A_371 = tpu.vector_load %arg14[%swap3A] {strides = array<i32>} : memref<1024xf32, #tpu.memory_space<vmem>>, vector<16xf32>,
      tpu.vector_store %arg14[%swap3A], %select_n3A_370 {strides = array<i32>} : memref<1024xf32, #tpu.memory_space<vmem>>, vector<16xf32>,
      %scan3A_372 = arith.constant 0 : i32
      scf.yield %scan3A_372 : i32
    }
    %scan3A_56 = arith.constant 64 : i32
    "tpu.region"() ({
      %run_scoped3A_57 = tpu.sem_alloc : memref<!tpu.dma_semaphore, #tpu.memory_space<semaphore_mem>>
      %dma_start3A = arith.constant 0 : i32
      %dma_start3A_58 = tpu.memref_slice %arg4[%select_n3A, %select_n3A_30, %dma_start3A] : memref<16x2x1024xf32, #tpu.memory_space<hbm>> -> memref<1x1x1024xf32, #tpu.memory_space<hbm>>
      %dma_start3A_59 = tpu.memref_squeeze %dma_start3A_58 : memref<1x1x1024xf32, #tpu.memory_space<hbm>> -> memref<1024xf32, #tpu.memory_space<hbm>>
      %dma_start3A_60 = arith.constant 0 : i32
      %dma_start3A_61 = tpu.memref_slice %arg4[%select_n3A, %select_n3A_30, %dma_start3A_60] : memref<16x2x1024xf32, #tpu.memory_space<hbm>> -> memref<1x1x1024xf32, #tpu.memory_space<hbm>>
      %dma_start3A_62 = tpu.memref_squeeze %dma_start3A_61 : memref<1x1x1024xf32, #tpu.memory_space<hbm>> -> memref<1024xf32, #tpu.memory_space<hbm>>
      tpu.enqueue_dma source(%arg14 : memref<1024xf32, #tpu.memory_space<vmem>>) target(%dma_start3A_62 : memref<1024xf32, #tpu.memory_space<hbm>>) target_semaphore(%run_scoped3A_57 : memref<!tpu.dma_semaphore, #tpu.memory_space<semaphore_mem>>)
      %dma_wait3A = arith.constant 0 : i32
      %dma_wait3A_63 = tpu.memref_slice %arg4[%select_n3A, %select_n3A_30, %dma_wait3A] : memref<16x2x1024xf32, #tpu.memory_space<hbm>> -> memref<1x1x1024xf32, #tpu.memory_space<hbm>>
      %dma_wait3A_64 = tpu.memref_squeeze %dma_wait3A_63 : memref<1x1x1024xf32, #tpu.memory_space<hbm>> -> memref<1024xf32, #tpu.memory_space<hbm>>
      %dma_wait3A_65 = arith.constant 0 : i32
      %dma_wait3A_66 = tpu.memref_slice %arg4[%select_n3A, %select_n3A_30, %dma_wait3A_65] : memref<16x2x1024xf32, #tpu.memory_space<hbm>> -> memref<1x1x1024xf32, #tpu.memory_space<hbm>>
      %dma_wait3A_67 = tpu.memref_squeeze %dma_wait3A_66 : memref<1x1x1024xf32, #tpu.memory_space<hbm>> -> memref<1024xf32, #tpu.memory_space<hbm>>
      tpu.wait_dma2 semaphore(%run_scoped3A_57 : memref<!tpu.dma_semaphore, #tpu.memory_space<semaphore_mem>>) src(%arg14 : memref<1024xf32, #tpu.memory_space<vmem>>) dst(%dma_wait3A_67 : memref<1024xf32, #tpu.memory_space<hbm>>)
      tpu.yield
    }) : () -> ()
    "tpu.region"() ({
      %run_scoped3A_57 = tpu.sem_alloc : memref<!tpu.dma_semaphore, #tpu.memory_space<semaphore_mem>>
      %dma_start3A = arith.constant 0 : i32
      %dma_start3A_58 = tpu.memref_slice %arg5[%select_n3A, %select_n3A_30, %dma_start3A] : memref<16x2x2048xf32, #tpu.memory_space<hbm>> -> memref<1x1x2048xf32, #tpu.memory_space<hbm>>
      %dma_start3A_59 = tpu.memref_squeeze %dma_start3A_58 : memref<1x1x2048xf32, #tpu.memory_space<hbm>> -> memref<2048xf32, #tpu.memory_space<hbm>>
      %dma_start3A_60 = arith.constant 0 : i32
      %dma_start3A_61 = tpu.memref_slice %arg5[%select_n3A, %select_n3A_30, %dma_start3A_60] : memref<16x2x2048xf32, #tpu.memory_space<hbm>> -> memref<1x1x2048xf32, #tpu.memory_space<hbm>>
      %dma_start3A_62 = tpu.memref_squeeze %dma_start3A_61 : memref<1x1x2048xf32, #tpu.memory_space<hbm>> -> memref<2048xf32, #tpu.memory_space<hbm>>
      tpu.enqueue_dma source(%arg15 : memref<2048xf32, #tpu.memory_space<vmem>>) target(%dma_start3A_62 : memref<2048xf32, #tpu.memory_space<hbm>>) target_semaphore(%run_scoped3A_57 : memref<!tpu.dma_semaphore, #tpu.memory_space<semaphore_mem>>)
      %dma_wait3A = arith.constant 0 : i32
      %dma_wait3A_63 = tpu.memref_slice %arg5[%select_n3A, %select_n3A_30, %dma_wait3A] : memref<16x2x2048xf32, #tpu.memory_space<hbm>> -> memref<1x1x2048xf32, #tpu.memory_space<hbm>>
      %dma_wait3A_64 = tpu.memref_squeeze %dma_wait3A_63 : memref<1x1x2048xf32, #tpu.memory_space<hbm>> -> memref<2048xf32, #tpu.memory_space<hbm>>
      %dma_wait3A_65 = arith.constant 0 : i32
      %dma_wait3A_66 = tpu.memref_slice %arg5[%select_n3A, %select_n3A_30, %dma_wait3A_65] : memref<16x2x2048xf32, #tpu.memory_space<hbm>> -> memref<1x1x2048xf32, #tpu.memory_space<hbm>>
      %dma_wait3A_67 = tpu.memref_squeeze %dma_wait3A_66 : memref<1x1x2048xf32, #tpu.memory_space<hbm>> -> memref<2048xf32, #tpu.memory_space<hbm>>
      tpu.wait_dma2 semaphore(%run_scoped3A_57 : memref<!tpu.dma_semaphore, #tpu.memory_space<semaphore_mem>>) src(%arg15 : memref<2048xf32, #tpu.memory_space<vmem>>) dst(%dma_wait3A_67 : memref<2048xf32, #tpu.memory_space<hbm>>)
      tpu.yield
    }) : () -> ()
    return
  }
}

</mosaic_0001>

<sc_bundles>
// kernel: kernel.3.cloned.1.call-start
scs
__scs_entry_jumppad:
0x0: {  	(pc) =	sbr.rel $0x88, $3  }
0x1: {  	(tag) =	ssettag $0x0;
	lr =	simm.s32 $0x1  }
0x2: {  	[smem:$0x3F9F] =	sst lr;
	_ =	strace $0xD0000000  }
0x3: {  	_ = 	snop  }
0x4: {  	_ = 	snop  }
0x5: {  	_ = 	snop  }
0x6: {  	_ = 	snop  }
0x7: {  	_ = 	snop  }
__scs_overlays_trampoline_lowered:
0x8: {  	[smem:$0x3FAE] =	sst s0  }
0x9: {  	[smem:$0x3FAF] =	sst s1  }
0xa: {  	[smem:$0x3FB0] =	sst s2  }
0xb: {  	[smem:$0x3FB1] =	sst s3  }
0xc: {  	[smem:$0x3FB2] =	sst s4  }
0xd: {  	[smem:$0x3FB3] =	sst s5  }
0xe: {  	[smem:$0x3FB4] =	sst s6  }
0xf: {  	[smem:$0x3FB5] =	sst s7  }
0x10: {  	[smem:$0x3FB6] =	sst s8  }
0x11: {  	[smem:$0x3FB7] =	sst s9;
	s0 =	simm.s32 @!p0 $0x0  }
0x12: {  	s1 =	sld [smem:$0x3F9D];
	s0 =	simm.s32 @p0 $0x1  }
0x13: {  	[smem:$0x3FB8] =	sst s0;
	s0 =	simm.s32 @!p1 $0x0  }
0x14: {  	s2 =	sld [smem:$0x3F9C];
	s0 =	simm.s32 @p1 $0x1  }
0x15: {  	[smem:$0x3FB9] =	sst s0;
	s0 =	simm.s32 @!p2 $0x0  }
0x16: {  	s3 =	sld [smem:$0x3FDB];
	s0 =	simm.s32 @p2 $0x1  }
0x17: {  	s4 =	simm.s32 $0x1BF5;
	[smem:$0x3FBB] =	sst s0  }
0x18: {  	s0 =	sld [smem:$0x3F9E];
	_ =	swait.ge [sflag:s4], $0x0  }
0x19: {  	s7 =	sld [smem:$0x3F9F]  }
0x1a: {  	s8 =	sadd.s32 $0xFFFFE003, lr  }
0x1b: {  	s9 =	sadd.s32 $0xFFFFFEF7, lr;
	s5 =	simm.s32 $0xFFFFFFFF;
	p2 =	slt.u32 s8, $0xFFFFF086  }
0x1c: {  	p1 =	slt.u32 s9, $0xF7A;
	s5 =	simm.s32 @!p2 $0x0  }
0x1d: {  	s5 =	simm.s32 @p1 $0x1;
	p0 =	seq.s32 s7, s2  }
0x1e: {  	s7 =	smul.u32 @!p0 $0xF7A, s2;
	p2 =	seq.s32 @!p0 s5, $0x0  }
0x1f: {  	s9 =	smul.u32 $0xF7A, s1;
	s8 =	simm.s32 @!p0 $0x1BF5;
	p2 =	por !p2, p0  }
0x20: {  	[sflag:s8] =	ssyncset.s32 @!p0 $0xFFFFF086;
	s6 =	sadd.s32 @!p0 s3, s7;
	s7 =	simm.s32 @!p0 $0x108  }
0x21: {  	s3 =	sadd.s32 s3, s9;
	s6 =	sadd.s32 @!p0 $0x88, s6;
	s7 =	simm.s32 @p2 $0x1082  }
0x22: {  	[simem:s7], [sflag:s8] =	dma.local @!p0 [hbm:s6], $0xF7A  }
0x23: {  	s9 =	sor.u32 $0xD0000000, s2;
	s6 =	simm.s32 $0x108;
	_ =	swait.ge @!p0 [sflag:s8], $0x0  }
0x24: {  	s3 =	sadd.s32 $0x88, s3;
	s6 =	simm.s32 @!p1 $0x1082;
	[sflag:s4] =	ssyncset.s32 $0xFFFFF086  }
0x25: {  	[simem:s6], [sflag:s4] =	dma.local [hbm:s3], $0xF7A  }
0x26: {  	[smem:$0x3F9F] =	sst s1;
	(tag) =	ssettag s2;
	_ =	strace s9  }
0x27: {  	s1 =	sld [smem:$0x3FAF]  }
0x28: {  	s2 =	sld [smem:$0x3FB0]  }
0x29: {  	s4 =	sld [smem:$0x3FB2]  }
0x2a: {  	p0 =	seq.s32 s5, $0x0;
	s5 =	sld [smem:$0x3FB3]  }
0x2b: {  	s6 =	sld [smem:$0x3FB4]  }
0x2c: {  	s7 =	sld [smem:$0x3FB5]  }
0x2d: {  	s3 =	simm.s32 $0x108;
	s8 =	sld [smem:$0x3FB6]  }
0x2e: {  	s3 =	simm.s32 @!p0 $0x1082;
	s9 =	sld [smem:$0x3FB7]  }
0x2f: {  	lr =	sadd.s32 s0, s3;
	s0 =	sld [smem:$0x3FAE]  }
0x30: {  	s3 =	sld [smem:$0x3FB1]  }
0x31: {  	[smem:$0x3FBA] =	sst s10  }
0x32: {  	s10 =	sld [smem:$0x3FB8];
	_ =	sdelay $0x3  }
0x33: {  	p0 =	seq.s32 s10, $0x1;
	s10 =	sld [smem:$0x3FBA];
	_ =	sdelay $0x3  }
0x34: {  	[smem:$0x3FBA] =	sst s10  }
0x35: {  	s10 =	sld [smem:$0x3FB9];
	_ =	sdelay $0x3  }
0x36: {  	p1 =	seq.s32 s10, $0x1;
	s10 =	sld [smem:$0x3FBA];
	_ =	sdelay $0x3  }
0x37: {  	[smem:$0x3FBA] =	sst s10  }
0x38: {  	s10 =	sld [smem:$0x3FBB]  }
0x39: {  	_ = 	snop;
	(pc) =	sbr.ind lr, $3  }
0x3a: {  	_ = 	snop  }
0x3b: {  	_ = 	snop  }
0x3c: {  	p2 =	seq.s32 s10, $0x1;
	s10 =	sld [smem:$0x3FBA]  }
0x3d: {  	_ =	shalt  }
0x3e: {  	_ =	shalt  }
0x3f: {  	_ =	shalt  }
0x40: {  	_ =	shalt  }
0x41: {  	_ =	shalt  }
0x42: {  	_ =	shalt  }
0x43: {  	_ =	shalt  }
0x44: {  	_ =	shalt  }
0x45: {  	_ =	shalt  }
0x46: {  	_ =	shalt  }
0x47: {  	_ =	shalt  }
0x48: {  	_ =	shalt  }
0x49: {  	_ =	shalt  }
0x4a: {  	_ =	shalt  }
0x4b: {  	_ =	shalt  }
0x4c: {  	_ =	shalt  }
0x4d: {  	_ =	shalt  }
0x4e: {  	_ =	shalt  }
0x4f: {  	_ =	shalt  }
0x50: {  	_ =	shalt  }
0x51: {  	_ =	shalt  }
0x52: {  	_ =	shalt  }
0x53: {  	_ =	shalt  }
0x54: {  	_ =	shalt  }
0x55: {  	_ =	shalt  }
0x56: {  	_ =	shalt  }
0x57: {  	_ =	shalt  }
0x58: {  	_ =	shalt  }
0x59: {  	_ =	shalt  }
0x5a: {  	_ =	shalt  }
0x5b: {  	_ =	shalt  }
0x5c: {  	_ =	shalt  }
0x5d: {  	_ =	shalt  }
0x5e: {  	_ =	shalt  }
0x5f: {  	_ =	shalt  }
0x60: {  	_ =	shalt  }
0x61: {  	_ =	shalt  }
0x62: {  	_ =	shalt  }
0x63: {  	_ =	shalt  }
0x64: {  	_ =	shalt  }
0x65: {  	_ =	shalt  }
0x66: {  	_ =	shalt  }
0x67: {  	_ =	shalt  }
0x68: {  	_ =	shalt  }
0x69: {  	_ =	shalt  }
0x6a: {  	_ =	shalt  }
0x6b: {  	_ =	shalt  }
0x6c: {  	_ =	shalt  }
0x6d: {  	_ =	shalt  }
0x6e: {  	_ =	shalt  }
0x6f: {  	_ =	shalt  }
0x70: {  	_ =	shalt  }
0x71: {  	_ =	shalt  }
0x72: {  	_ =	shalt  }
0x73: {  	_ =	shalt  }
0x74: {  	_ =	shalt  }
0x75: {  	_ =	shalt  }
0x76: {  	_ =	shalt  }
0x77: {  	_ =	shalt  }
0x78: {  	_ =	shalt  }
0x79: {  	_ =	shalt  }
0x7a: {  	_ =	shalt  }
0x7b: {  	_ =	shalt  }
0x7c: {  	_ =	shalt  }
0x7d: {  	_ =	shalt  }
0x7e: {  	_ =	shalt  }
0x7f: {  	_ =	shalt  }
0x80: {  	_ =	shalt  }
0x81: {  	_ =	shalt  }
0x82: {  	_ =	shalt  }
0x83: {  	_ =	shalt  }
0x84: {  	_ =	shalt  }
0x85: {  	_ =	shalt  }
0x86: {  	_ =	shalt  }
0x87: {  	_ =	shalt  }
.Lfunc_end0:
.L_simem_size_0:
called_computation_lowered:
.L_overlay_start_0:
0x88: {  	s2 =	sld [smem:$0x3FD9]  }
0x89: {  	s3 =	sld [smem:$0x3FFE];
	_ =	sdelay $0x1  }
0x8a: {  	s1 =	srdreg.scid  }
0x8b: {  	s0 =	sand.u32 $0x1, s1  }
0x8c: {  	s16 =	sshll.u32 s0, $0xA;
	s2 =	sadd.s32 s3, s2  }
0x8d: {  	s2 =	sadd.s32 s2, s16  }
0x8e: {  	[smem:$0x3FC6] =	sst s2  }
0x8f: {  	_ = 	snop  }
0x90: {  	(tm) =	ssettm $0x1  }
0x91: {  	s17 =	sld [smem:$0x3FFB];
	_ =	sdelay $0x3  }
0x92: {  	_ =	strace s17  }
0x93: {  	s2 =	sld [smem:$0x3FFC];
	_ =	sdelay $0x3  }
0x94: {  	_ =	strace s2  }
0x95: {  	s2 =	sld [smem:$0x3FFD];
	_ =	sdelay $0x3  }
0x96: {  	_ =	strace s2  }
0x97: {  	_ =	strace $0x8FFFFFFF  }
0x98: {  	s18 =	sld [smem:$0x3FDB];
	_ =	sdelay $0x1  }
0x99: {  	s19 =	simm.s32 $_scs_section_size  }
0x9a: {  	s4 =	simm.s32 $_size__tile_overlayer_lowered;
	s5 =	simm.s32 $_tile_overlayer_lowered  }
0x9b: {  	s22 =	simm.s32 $0x1BFF;
	s21 =	sshll.u32 s5, $0x1;
	s2 =	sadd.s32 s19, s18  }
0x9c: {  	s6 =	simm.s32 $0x0;
	s20 =	sshll.u32 s4, $0x1;
	s4 =	sadd.s32 s21, s2  }
0x9d: {  	[timem:s6], [sflag:s22] =	dma.local [hbm:s4], s20  }
0x9e: {  	_ =	swait.ge [sflag:s22], s20  }
0x9f: {  	s3 =	ssub.s32 $0x0, s20;
	[sflag:s22] =	ssyncset.done $0x0  }
0xa0: {  	[sflag:s22] =	ssyncadd.s32 s3;
	_ =	sdelay $0x1  }
0xa1: {  	s23 =	simm.s32 $0x1B8B  }
0xa2: {  	_ =	swait.ge [sflag:s23], $0x1  }
0xa3: {  	[sflag:s23] =	ssyncset.done $0x0  }
0xa4: {  	s25 =	simm.s32 $0x1B8E;
	s24 =	sld [smem:$0x3FFE];
	[sflag:s23] =	ssyncadd.s32 $0xFFFFFFFF  }
0xa5: {  	s26 =	simm.s32 $execute0_lowered;
	[smem:$0x3FD2] =	sst s25  }
0xa6: {  	s4 =	sshll.u32 s26, $0x1;
	_ =	strace $0x80000046;
	[dreg:$0x1] =	wrdreg $0xFFFFFFFF  }
0xa7: {  	s28 =	simm.s32 $_size_execute0_lowered;
	s2 =	sadd.s32 s2, s4;
	[dreg:$0x0] =	wrdreg $0x0  }
0xa8: {  	s4 =	sshll.u32 s28, $0x1;
	[dreg:$0x2] =	wrdreg s2  }
0xa9: {  	[dreg:$0x3] =	wrdreg s4  }
0xaa: {  	[dreg:$0x4] =	wrdreg $0xC0  }
0xab: {  	_ =	task [dreg:s6], $0x5FFFF  }
0xac: {  	[dreg:$0x1] =	wrdreg $0xFFFFFFFF  }
0xad: {  	[dreg:$0x0] =	wrdreg $0x60  }
0xae: {  	[dreg:$0x2] =	wrdreg s24  }
0xaf: {  	[dreg:$0x3] =	wrdreg $0x9  }
0xb0: {  	_ =	task.clear_ibuf [dreg:s6], $0x4FFFF;
	_ =	strace $0x90000046  }
0xb1: {  	s29 =	simm.s32 $0x9;
	_ =	strace $0x80000048  }
0xb2: {  	_ =	swait.ge [sflag:s29], $0x1  }
0xb3: {  	[sflag:s29] =	ssyncadd.s32 $0xFFFFFFFF  }
0xb4: {  	_ =	strace $0x90000048  }
0xb5: {  	_ =	sfence  }
0xb6: {  	s30 =	sld [smem:$0x0];
	_ =	sdelay $0x2  }
0xb7: {  	s31 =	sshll.u32 s1, $0xD;
	s1 =	sshrl.u32 s1, $0x2  }
0xb8: {  	s3 =	sand.u32 $0x4000, s31;
	s1 =	sadd.s32 s1, s30  }
0xb9: {  	s0 =	sor.u32 s3, s0;
	s1 =	sshll.u32 s1, $0x11  }
0xba: {  	s0 =	sor.u32 s1, s0  }
0xbb: {  	s0 =	sadd.s32 $0x8F2B, s0  }
0xbc: {  	[sflag:s0] =	ssyncadd.remote.s32 $0x1  }
0xbd: {  	_ =	sfence.sel $0xFFFF  }
0xbe: {  	[dreg:$0x0] =	wrdreg $0xFFFFFFFF;
	(pc) =	sbr.abs _section_cstart, $3  }
0xbf: {  	[dreg:$0x1] =	wrdreg $0xFFFFFFFF  }
0xc0: {  	_ =	task.clear_ibuf [dreg:s6], $0x2FFFF;
	_ =	strace $0x9FFFFFFF  }
0xc1: {  	(tm) =	ssettm $0x7FFFFFFF  }
tec
execute0_lowered:
.L_overlay_start_1:
0x0: {  	(tag) =	ssettag $0x1  }
0x1: {  	s0 =	srdreg.scid  }
0x2: {  	s3 =	stileid.u32;
	s6 =	rddreg [dreg:$0x0]  }
0x3: {  	s2 =	simm.s32 $0x0;
	s13 =	simm.s32 $0x400;
	s14 =	simm.s32 $0x800  }
0x4: {  	s16 =	simm.s32 $0x1400;
	s17 =	simm.s32 $0x1C00;
	s18 =	simm.s32 $0x2400  }
0x5: {  	s19 =	simm.s32 $0x3000;
	s20 =	simm.s32 $0x3400;
	s0 =	sand.u32 $0x1, s0  }
0x6: {  	s21 =	simm.s32 $0x0;
	[smem:$0x7FF] =	sst s2;
	s1 =	sor.u32 s0, s3  }
0x7: {  	p1 =	seq.s32 s0, $0x1;
	s4 =	sshll.u32 s0, $0xA;
	p0 =	seq.s32 s1, $0x0  }
0x8: {  	s5 =	sshll.u32 s0, $0xB;
	s8 =	smul.u32 $0xC00, s0;
	p0 =	por !p0, !p1  }
0x9: {  	s0 =	ssub.s32 $0x2, s0;
	s1 =	simm.s32 $0x1;
	p0 =	por !p0, !p0  }
0xa: {  	s9 =	sadd.s32 $0x3000, s6;
	s25 =	sshrl.u32 s0, $0x1;
	s1 =	simm.s32 @!p0 $0x0  }
0xb: {  	_ =	strace $0x80000047;
	s0 =	ssub.s32 s0, s25;
	s1 =	ssub.s32 s3, s1  }
0xc: {  	s3 =	sshll.u32 s1, $0xB;
	s7 =	smul.u32 $0x1800, s1;
	s1 =	sshll.u32 s1, $0xC  }
0xd: {  	s4 =	sor.u32 s4, s3;
	s3 =	simm.s32 $0x1;
	s1 =	sor.u32 s5, s1  }
0xe: {  	s4 =	sshrl.u32 s4, $0x3;
	s1 =	sshrl.u32 s1, $0x3;
	s26 =	sadd.s32 s8, s7  }
0xf: {  	s30 =	sadd.s32 $0x800, s7;
	s31 =	sadd.s32 $0x1000, s7;
	s7 =	sshrl.u32 s7, $0x3  }
0x10: {  	s10 =	sadd.s32 s4, s6;
	s1 =	sadd.s32 s1, s6;
	s28 =	sadd.s32 $0x400, s26  }
0x11: {  	s8 =	sshrl.u32 s26, $0x3;
	s12 =	sadd.s32 $0x800, s26;
	s7 =	sadd.s32 s9, s7  }
0x12: {  	s11 =	sshrl.u32 s28, $0x3;
	s4 =	sadd.s32 s6, s8;
	s29 =	sshrl.u32 s12, $0x3  }
0x13: {  	s8 =	sshrl.u32 s30, $0x3;
	s10 =	sadd.s32 $0x6000, s10;
	s12 =	smax.u32 s0, $0x1  }
0x14: {  	v1 =	vimm.s32 $0x0;
	vm0 =	vcmask $0x300;
	s5 =	sadd.s32 s6, s11;
	s6 =	sadd.s32 s6, s29;
	s11 =	sshrl.u32 s31, $0x3  }
0x15: {  	v0 =	vimm.f32 $3.000000010e+38;
	v1 =	vsel vm0, $0x3, v1;
	s8 =	sadd.s32 s9, s8;
	s9 =	sadd.s32 s9, s11;
	s11 =	sadd.s32 $0x7000, s1  }
.LBB2_1:
0x16: {  	[tilespmem:s2], [sflag:$0x1] =	stream.linear.gather [hbm4b:s4+s2], $0x400, $0x38;
	[tilespmem:$0x3C00] =	vst v63  }
0x17: {  	_ =	swait.ge [sflag:s3], $0x400  }
0x18: {  	[sflag:s3] =	ssyncset.done $0x0  }
0x19: {  	[sflag:s3] =	ssyncadd.s32 $0xFFFFFC00  }
0x1a: {  	[tilespmem:s13], [sflag:$0x1] =	stream.linear.gather [hbm4b:s5+s2], $0x400, $0x38;
	[tilespmem:$0x3C00] =	vst v63  }
0x1b: {  	_ =	swait.ge [sflag:s3], $0x400  }
0x1c: {  	[sflag:s3] =	ssyncset.done $0x0  }
0x1d: {  	[sflag:s3] =	ssyncadd.s32 $0xFFFFFC00  }
0x1e: {  	[tilespmem:s14], [sflag:$0x1] =	stream.linear.gather [hbm4b:s6+s2], $0x400, $0x38;
	[tilespmem:$0x3C00] =	vst v63  }
0x1f: {  	_ =	swait.ge [sflag:s3], $0x400  }
0x20: {  	[sflag:s3] =	ssyncset.done $0x0  }
0x21: {  	s0 =	simm.s32 $0xC00;
	[sflag:s3] =	ssyncadd.s32 $0xFFFFFC00  }
0x22: {  	[tilespmem:s0], [sflag:$0x1] =	stream.linear.gather [hbm4b:s7+s2], $0x800, $0x38;
	[tilespmem:$0x3C00] =	vst v63  }
0x23: {  	_ =	swait.ge [sflag:s3], $0x800  }
0x24: {  	[sflag:s3] =	ssyncset.done $0x0  }
0x25: {  	[sflag:s3] =	ssyncadd.s32 $0xFFFFF800  }
0x26: {  	[tilespmem:s16], [sflag:$0x1] =	stream.linear.gather [hbm4b:s8+s2], $0x800, $0x38;
	[tilespmem:$0x3C00] =	vst v63  }
0x27: {  	_ =	swait.ge [sflag:s3], $0x800  }
0x28: {  	[sflag:s3] =	ssyncset.done $0x0  }
0x29: {  	[sflag:s3] =	ssyncadd.s32 $0xFFFFF800  }
0x2a: {  	[tilespmem:s17], [sflag:$0x1] =	stream.linear.gather [hbm4b:s9+s2], $0x800, $0x38;
	[tilespmem:$0x3C00] =	vst v63  }
0x2b: {  	_ =	swait.ge [sflag:s3], $0x800  }
0x2c: {  	[sflag:s3] =	ssyncset.done $0x0  }
0x2d: {  	s22 =	simm.s32 $0xC10;
	[sflag:s3] =	ssyncadd.s32 $0xFFFFF800  }
0x2e: {  	s28 =	simm.s32 $0x1410;
	v2 =	vld [tilespmem:s22+$0xFFFFFFF0]  }
0x2f: {  	v3 =	vld [tilespmem:s28+$0xFFFFFFF0]  }
0x30: {  	s29 =	simm.s32 $0x1C10  }
0x31: {  	v4 =	vld [tilespmem:s29+$0xFFFFFFF0];
	_ =	sdelay $0x2  }
0x32: {  	v5 =	vmul.f32 v2, v2;
	v6 =	vmul.f32 v3, v3;
	_ =	sdelay $0x1  }
0x33: {  	v7 =	vshrl.u32 v2, $0x10;
	v53 =	vmul.f32 v4, v4;
	v5 =	vadd.f32 v6, v5  }
0x34: {  	v54 =	vshrl.u32 v3, $0x10;
	v8 =	vshrl.u32 v4, $0x10;
	v7 =	vand.u32 $0x1, v7  }
0x35: {  	v2 =	vadd.s32 v7, v2;
	v7 =	vand.u32 $0x1, v54;
	v5 =	vadd.f32 v53, v5  }
0x36: {  	s26 =	simm.s32 $0x2810;
	v55 =	vand.u32 $0x1, v8;
	v2 =	vadd.s32 $0x7FFF, v2;
	v3 =	vadd.s32 v7, v3  }
0x37: {  	v4 =	vadd.s32 v55, v4;
	v3 =	vadd.s32 $0x7FFF, v3;
	v2 =	vand.u32 $0xFFFF0000, v2;
	[tilespmem:s26+$0xFFFFFFF0] =	vst v5  }
0x38: {  	v4 =	vadd.s32 $0x7FFF, v4;
	[tilespmem:s22+$0xFFFFFFF0] =	vst v2;
	v2 =	vand.u32 $0xFFFF0000, v3  }
0x39: {  	[tilespmem:s28+$0xFFFFFFF0] =	vst v2;
	v2 =	vand.u32 $0xFFFF0000, v4  }
0x3a: {  	s30 =	simm.s32 $0x3410;
	[tilespmem:s29+$0xFFFFFFF0] =	vst v2  }
0x3b: {  	[tilespmem:s30+$0xFFFFFFF0] =	vst v0  }
0x3c: {  	v2 =	vld [tilespmem:s22+$0x0]  }
0x3d: {  	v3 =	vld [tilespmem:s28+$0x0];
	_ =	sdelay $0x1  }
0x3e: {  	v56 =	vld [tilespmem:s29+$0x0];
	_ =	sdelay $0x2  }
0x3f: {  	v57 =	vmul.f32 v2, v2;
	v58 =	vmul.f32 v3, v3;
	_ =	sdelay $0x1  }
0x40: {  	v59 =	vshrl.u32 v2, $0x10;
	v60 =	vmul.f32 v56, v56;
	v5 =	vadd.f32 v58, v57  }
0x41: {  	v61 =	vshrl.u32 v3, $0x10;
	v62 =	vshrl.u32 v56, $0x10;
	v7 =	vand.u32 $0x1, v59  }
0x42: {  	v6 =	vand.u32 $0x1, v61;
	v2 =	vadd.s32 v7, v2;
	v5 =	vadd.f32 v60, v5  }
0x43: {  	v63 =	vand.u32 $0x1, v62;
	v3 =	vadd.s32 v6, v3;
	v2 =	vadd.s32 $0x7FFF, v2  }
0x44: {  	s1 =	simm.s32 $0x0;
	s24 =	simm.s32 $0x2410;
	v4 =	vadd.s32 v63, v56;
	v3 =	vadd.s32 $0x7FFF, v3;
	v2 =	vand.u32 $0xFFFF0000, v2;
	[tilespmem:s26+$0x0] =	vst v5  }
0x45: {  	s25 =	simm.s32 $0x10;
	s23 =	simm.s32 $0x810;
	s31 =	simm.s32 $0x1C30;
	v4 =	vadd.s32 $0x7FFF, v4;
	v3 =	vand.u32 $0xFFFF0000, v3;
	[tilespmem:s22+$0x0] =	vst v2  }
0x46: {  	s15 =	simm.s32 $0x3430;
	s0 =	simm.s32 $0x2830;
	s26 =	simm.s32 $0x410;
	v2 =	vand.u32 $0xFFFF0000, v4;
	[tilespmem:s28+$0x0] =	vst v3  }
.LBB2_2:
0x47: {  	s1 =	sadd.s32 $0x2, s1;
	[tilespmem:s29+$0x0] =	vst v2;
	s22 =	sadd.s32 $0x20, s22;
	s28 =	sadd.s32 $0x20, s28  }
0x48: {  	s29 =	smov.u32 s31;
	p0 =	slt.u32 s1, $0x7E;
	[tilespmem:s30+$0x0] =	vst v0;
	s30 =	smov.u32 s15  }
0x49: {  	v2 =	vld [tilespmem:s22+$0xFFFFFFF0]  }
0x4a: {  	v3 =	vld [tilespmem:s28+$0xFFFFFFF0];
	_ =	sdelay $0x1  }
0x4b: {  	v4 =	vld [tilespmem:s31+$0xFFFFFFF0];
	_ =	sdelay $0x1  }
0x4c: {  	v5 =	vshrl.u32 v2, $0x10  }
0x4d: {  	v6 =	vmul.f32 v2, v2;
	v7 =	vmul.f32 v3, v3;
	v5 =	vand.u32 $0x1, v5  }
0x4e: {  	v2 =	vadd.s32 v5, v2;
	v5 =	vshrl.u32 v3, $0x10  }
0x4f: {  	v6 =	vadd.f32 v7, v6;
	v7 =	vmul.f32 v4, v4;
	v5 =	vand.u32 $0x1, v5  }
0x50: {  	v2 =	vadd.s32 $0x7FFF, v2;
	v3 =	vadd.s32 v5, v3;
	v5 =	vshrl.u32 v4, $0x10  }
0x51: {  	v6 =	vadd.f32 v7, v6;
	v3 =	vadd.s32 $0x7FFF, v3;
	v5 =	vand.u32 $0x1, v5  }
0x52: {  	v4 =	vadd.s32 v5, v4  }
0x53: {  	v2 =	vand.u32 $0xFFFF0000, v2;
	[tilespmem:s0+$0xFFFFFFF0] =	vst v6;
	v4 =	vadd.s32 $0x7FFF, v4  }
0x54: {  	[tilespmem:s22+$0xFFFFFFF0] =	vst v2;
	v2 =	vand.u32 $0xFFFF0000, v3  }
0x55: {  	[tilespmem:s28+$0xFFFFFFF0] =	vst v2;
	v2 =	vand.u32 $0xFFFF0000, v4  }
0x56: {  	[tilespmem:s31+$0xFFFFFFF0] =	vst v2  }
0x57: {  	[tilespmem:s15+$0xFFFFFFF0] =	vst v0  }
0x58: {  	v2 =	vld [tilespmem:s22+$0x0]  }
0x59: {  	v3 =	vld [tilespmem:s28+$0x0]  }
0x5a: {  	v4 =	vld [tilespmem:s31+$0x0];
	_ =	sdelay $0x2  }
0x5b: {  	v5 =	vmul.f32 v2, v2;
	v6 =	vshrl.u32 v2, $0x10  }
0x5c: {  	v7 =	vmul.f32 v3, v3;
	v6 =	vand.u32 $0x1, v6;
	v8 =	vshrl.u32 v3, $0x10  }
0x5d: {  	v9 =	vmul.f32 v4, v4;
	v2 =	vadd.s32 v6, v2;
	v6 =	vand.u32 $0x1, v8  }
0x5e: {  	v5 =	vadd.f32 v7, v5;
	v2 =	vadd.s32 $0x7FFF, v2;
	v3 =	vadd.s32 v6, v3  }
0x5f: {  	v6 =	vshrl.u32 v4, $0x10;
	v3 =	vadd.s32 $0x7FFF, v3  }
.Ltmp0:
0x60: {  	v6 =	vand.u32 $0x1, v6;
	v5 =	vadd.f32 v9, v5;
	(pc) =	sbr.rel @p0 .LBB2_2-.Ltmp0, $4  }
0x61: {  	v2 =	vand.u32 $0xFFFF0000, v2;
	v4 =	vadd.s32 v6, v4  }
0x62: {  	v3 =	vand.u32 $0xFFFF0000, v3;
	v4 =	vadd.s32 $0x7FFF, v4;
	[tilespmem:s0+$0x0] =	vst v5  }
0x63: {  	[tilespmem:s22+$0x0] =	vst v2;
	v2 =	vand.u32 $0xFFFF0000, v4  }
0x64: {  	s15 =	sadd.s32 $0x20, s15;
	s31 =	sadd.s32 $0x20, s31;
	s0 =	sadd.s32 $0x20, s0;
	[tilespmem:s28+$0x0] =	vst v3  }
0x65: {  	[tilespmem:s29+$0x0] =	vst v2  }
0x66: {  	[tilespmem:s30+$0x0] =	vst v0  }
0x67: {  	v2 =	vld [tilespmem:s26+$0xFFFFFFF0]  }
0x68: {  	v3 =	vld [tilespmem:s25+$0xFFFFFFF0]  }
0x69: {  	v4 =	vld [tilespmem:s23+$0xFFFFFFF0];
	_ =	sdelay $0x3  }
0x6a: {  	v5 =	vmul.f32 v2, v2;
	v6 =	vshrl.u32 v2, $0x10  }
0x6b: {  	v7 =	vmul.f32 v3, v3;
	v8 =	vshrl.u32 v3, $0x10;
	v9 =	vmul.f32 v4, v4  }
0x6c: {  	v10 =	vshrl.u32 v4, $0x10;
	v6 =	vand.u32 $0x1, v6;
	v8 =	vand.u32 $0x1, v8  }
0x6d: {  	v5 =	vadd.f32 v5, v7;
	v3 =	vadd.s32 v8, v3;
	v7 =	vand.u32 $0x1, v10  }
0x6e: {  	s1 =	simm.s32 $0x0;
	s31 =	simm.s32 $0x2430;
	v6 =	vadd.s32 v6, v2;
	v8 =	vadd.s32 $0x7FFF, v3;
	v3 =	vadd.s32 v7, v4  }
0x6f: {  	s29 =	simm.s32 $0x10;
	s28 =	simm.s32 $0x410;
	s30 =	simm.s32 $0x830;
	v2 =	vadd.f32 v9, v5;
	v4 =	vand.u32 $0xFFFF0000, v8;
	v5 =	vadd.s32 $0x7FFF, v6  }
.LBB2_4:
0x70: {  	s1 =	sadd.s32 $0x2, s1;
	v4 =	vmul.f32 $-2.000000000e+00, v4;
	v5 =	vand.u32 $0xFFFF0000, v5;
	v3 =	vadd.s32 $0x7FFF, v3;
	s25 =	sadd.s32 $0x20, s25;
	s26 =	sadd.s32 $0x20, s26  }
0x71: {  	p0 =	slt.u32 s1, $0x3E;
	[tilespmem:s24+$0xFFFFFFF0] =	vst v2;
	v2 =	vmul.f32 $-2.000000000e+00, v5;
	v3 =	vand.u32 $0xFFFF0000, v3  }
0x72: {  	[tilespmem:s29+$0xFFFFFFF0] =	vst v4;
	v3 =	vmul.f32 $-2.000000000e+00, v3  }
0x73: {  	[tilespmem:s28+$0xFFFFFFF0] =	vst v2  }
0x74: {  	[tilespmem:s23+$0xFFFFFFF0] =	vst v3  }
0x75: {  	v2 =	vld [tilespmem:s29+$0x0]  }
0x76: {  	v3 =	vld [tilespmem:s28+$0x0]  }
0x77: {  	v4 =	vld [tilespmem:s23+$0x0];
	_ =	sdelay $0x2  }
0x78: {  	v5 =	vmul.f32 v2, v2;
	v6 =	vshrl.u32 v2, $0x10  }
0x79: {  	v7 =	vmul.f32 v3, v3;
	v6 =	vand.u32 $0x1, v6;
	v8 =	vshrl.u32 v3, $0x10  }
0x7a: {  	v9 =	vmul.f32 v4, v4;
	v2 =	vadd.s32 v6, v2;
	v6 =	vand.u32 $0x1, v8  }
0x7b: {  	v5 =	vadd.f32 v7, v5;
	v2 =	vadd.s32 $0x7FFF, v2;
	v7 =	vshrl.u32 v4, $0x10  }
0x7c: {  	v3 =	vadd.s32 v6, v3;
	v2 =	vand.u32 $0xFFFF0000, v2;
	v6 =	vand.u32 $0x1, v7  }
0x7d: {  	v3 =	vadd.s32 $0x7FFF, v3;
	v5 =	vadd.f32 v9, v5;
	v4 =	vadd.s32 v6, v4  }
0x7e: {  	v2 =	vmul.f32 $-2.000000000e+00, v2;
	v3 =	vand.u32 $0xFFFF0000, v3;
	v4 =	vadd.s32 $0x7FFF, v4  }
0x7f: {  	v3 =	vmul.f32 $-2.000000000e+00, v3;
	[tilespmem:s24+$0x0] =	vst v5;
	v4 =	vand.u32 $0xFFFF0000, v4;
	s24 =	smov.u32 s31  }
0x80: {  	[tilespmem:s29+$0x0] =	vst v2;
	v2 =	vmul.f32 $-2.000000000e+00, v4;
	s29 =	smov.u32 s25  }
0x81: {  	[tilespmem:s28+$0x0] =	vst v3;
	s28 =	smov.u32 s26  }
0x82: {  	[tilespmem:s23+$0x0] =	vst v2;
	s23 =	smov.u32 s30  }
0x83: {  	v2 =	vld [tilespmem:s26+$0xFFFFFFF0]  }
0x84: {  	v3 =	vld [tilespmem:s25+$0xFFFFFFF0]  }
0x85: {  	v4 =	vld [tilespmem:s30+$0xFFFFFFF0];
	_ =	sdelay $0x2  }
0x86: {  	v5 =	vmul.f32 v2, v2;
	v6 =	vshrl.u32 v2, $0x10  }
.Ltmp1:
0x87: {  	v7 =	vmul.f32 v3, v3;
	v8 =	vshrl.u32 v3, $0x10;
	v6 =	vand.u32 $0x1, v6;
	(pc) =	sbr.rel @p0 .LBB2_4-.Ltmp1, $4  }
0x88: {  	v9 =	vmul.f32 v4, v4;
	v8 =	vand.u32 $0x1, v8;
	v10 =	vshrl.u32 v4, $0x10  }
0x89: {  	v5 =	vadd.f32 v5, v7;
	v3 =	vadd.s32 v8, v3;
	v7 =	vand.u32 $0x1, v10  }
0x8a: {  	v6 =	vadd.s32 v6, v2;
	v8 =	vadd.s32 $0x7FFF, v3;
	v3 =	vadd.s32 v7, v4  }
0x8b: {  	s22 =	simm.s32 $0x0;
	s31 =	sadd.s32 $0x20, s31;
	s30 =	sadd.s32 $0x20, s30;
	v2 =	vadd.f32 v9, v5;
	v4 =	vand.u32 $0xFFFF0000, v8;
	v5 =	vadd.s32 $0x7FFF, v6  }
0x8c: {  	v4 =	vmul.f32 $-2.000000000e+00, v4;
	v5 =	vand.u32 $0xFFFF0000, v5;
	v3 =	vadd.s32 $0x7FFF, v3  }
0x8d: {  	[tilespmem:s24+$0xFFFFFFF0] =	vst v2;
	v2 =	vmul.f32 $-2.000000000e+00, v5;
	v3 =	vand.u32 $0xFFFF0000, v3  }
0x8e: {  	[tilespmem:s29+$0xFFFFFFF0] =	vst v4;
	v3 =	vmul.f32 $-2.000000000e+00, v3  }
0x8f: {  	[tilespmem:s28+$0xFFFFFFF0] =	vst v2  }
0x90: {  	[tilespmem:s23+$0xFFFFFFF0] =	vst v3;
	v4 =	vld [tilespmem:s23+$0x0]  }
0x91: {  	v2 =	vld [tilespmem:s29+$0x0]  }
0x92: {  	v3 =	vld [tilespmem:s28+$0x0];
	_ =	sdelay $0x3  }
0x93: {  	v9 =	vmul.f32 v4, v4;
	v62 =	vshrl.u32 v4, $0x10  }
0x94: {  	v60 =	vmul.f32 v2, v2;
	v6 =	vshrl.u32 v2, $0x10;
	v7 =	vmul.f32 v3, v3  }
0x95: {  	v8 =	vshrl.u32 v3, $0x10;
	v63 =	vand.u32 $0x1, v62;
	v6 =	vand.u32 $0x1, v6  }
0x96: {  	v61 =	vand.u32 $0x1, v8;
	v2 =	vadd.s32 v6, v2;
	v5 =	vadd.f32 v7, v60  }
0x97: {  	v4 =	vadd.s32 v63, v4;
	v3 =	vadd.s32 v61, v3;
	v2 =	vadd.s32 $0x7FFF, v2  }
0x98: {  	v3 =	vadd.s32 $0x7FFF, v3;
	v2 =	vand.u32 $0xFFFF0000, v2;
	v5 =	vadd.f32 v9, v5  }
0x99: {  	v4 =	vadd.s32 $0x7FFF, v4;
	v3 =	vand.u32 $0xFFFF0000, v3;
	v2 =	vmul.f32 $-2.000000000e+00, v2  }
0x9a: {  	v4 =	vand.u32 $0xFFFF0000, v4;
	v3 =	vmul.f32 $-2.000000000e+00, v3;
	[tilespmem:s24+$0x0] =	vst v5  }
0x9b: {  	[tilespmem:s29+$0x0] =	vst v2;
	v2 =	vmul.f32 $-2.000000000e+00, v4  }
0x9c: {  	[tilespmem:s28+$0x0] =	vst v3  }
0x9d: {  	[tilespmem:s23+$0x0] =	vst v2  }
.LBB2_6:
0x9e: {  	s23 =	sshll.u32 s22, $0x4  }
0x9f: {  	v2 =	vmov s23  }
0xa0: {  	v2 =	vshrl.u32 v2, $0x3  }
0xa1: {  	v2 =	vshll.u32 v2, v1  }
0xa2: {  	v3 =	vbroadcast v2, $0x0;
	_ =	sdelay $0x2  }
0xa3: {  	s0 =	simm.s32 $0x2810;
	v4 =	vor.u32 $0x1, v2  }
0xa4: {  	s25 =	simm.s32 $0xC10;
	v17 =	vld [tilespmem:s0+$0xFFFFFFF0];
	v9 =	vbroadcast v4, $0x0  }
0xa5: {  	v18 =	vld [tilespmem:s25+$0xFFFFFFF0]  }
0xa6: {  	v7 =	vld.idx.msk [tilespmem:v3+s2+$0x0], $0xffff  }
0xa7: {  	v5 =	vadd.s32 $0x2, v2;
	v6 =	vld.idx.msk [tilespmem:v3+s13+$0x0], $0xffff  }
0xa8: {  	v16 =	vbroadcast v5, $0x0;
	v4 =	vld.idx.msk [tilespmem:v3+s14+$0x0], $0xffff  }
0xa9: {  	v10 =	vld.idx.msk [tilespmem:v3+s18+$0x0], $0xffff;
	v3 =	vadd.s32 $0x3, v2  }
0xaa: {  	v11 =	vld.idx.msk [tilespmem:v9+s2+$0x0], $0xffff;
	v3 =	vbroadcast v3, $0x0  }
0xab: {  	v8 =	vld.idx.msk [tilespmem:v9+s13+$0x0], $0xffff  }
0xac: {  	v5 =	vld.idx.msk [tilespmem:v9+s14+$0x0], $0xffff  }
0xad: {  	v15 =	vld.idx.msk [tilespmem:v9+s18+$0x0], $0xffff  }
0xae: {  	v12 =	vld.idx.msk [tilespmem:v16+s2+$0x0], $0xffff  }
0xaf: {  	v13 =	vld.idx.msk [tilespmem:v16+s18+$0x0], $0xffff  }
0xb0: {  	v9 =	vld.idx.msk [tilespmem:v3+s18+$0x0], $0xffff  }
0xb1: {  	s26 =	simm.s32 $0x1410;
	v20 =	vld.idx.msk [tilespmem:v3+s2+$0x0], $0xffff  }
0xb2: {  	s28 =	simm.s32 $0x1C10;
	v21 =	vld [tilespmem:s26+$0xFFFFFFF0]  }
0xb3: {  	v22 =	vld [tilespmem:s28+$0xFFFFFFF0]  }
0xb4: {  	v19 =	vld.idx.msk [tilespmem:v16+s13+$0x0], $0xffff;
	v25 =	vadd.f32 v17, v10;
	v26 =	vmul.f32 v18, v7  }
0xb5: {  	v23 =	vadd.f32 v17, v15;
	v27 =	vmul.f32 v18, v11;
	v28 =	vmul.f32 v18, v12;
	v14 =	vld.idx.msk [tilespmem:v3+s13+$0x0], $0xffff  }
0xb6: {  	v16 =	vld.idx.msk [tilespmem:v16+s14+$0x0], $0xffff;
	v24 =	vadd.f32 v17, v9;
	v17 =	vadd.f32 v17, v13;
	v29 =	vmul.f32 v18, v20  }
0xb7: {  	s24 =	simm.s32 $0x3410;
	v23 =	vadd.f32 v23, v27;
	v18 =	vld.idx.msk [tilespmem:v3+s14+$0x0], $0xffff;
	v3 =	vadd.f32 v25, v26;
	v25 =	vmul.f32 v21, v6  }
0xb8: {  	v27 =	vmul.f32 v21, v8;
	v26 =	vld [tilespmem:s24+$0xFFFFFFF0];
	v17 =	vadd.f32 v17, v28;
	v24 =	vadd.f32 v24, v29  }
0xb9: {  	v3 =	vadd.f32 v3, v25;
	v25 =	vmul.f32 v22, v4;
	v29 =	vmul.f32 v21, v19  }
0xba: {  	v23 =	vadd.f32 v23, v27;
	v27 =	vmul.f32 v22, v5;
	v21 =	vmul.f32 v21, v14  }
0xbb: {  	v28 =	vadd.f32 v3, v25;
	v3 =	vadd.f32 v17, v29;
	v17 =	vmul.f32 v22, v16  }
0xbc: {  	v30 =	vadd.f32 v23, v27;
	v21 =	vadd.f32 v24, v21;
	v22 =	vmul.f32 v22, v18  }
0xbd: {  	v23 =	vmin.f32 v26, v28;
	v32 =	vadd.f32 v3, v17  }
0xbe: {  	v3 =	vmin.f32 v23, v30;
	v24 =	vadd.f32 v21, v22  }
0xbf: {  	v3 =	vmin.f32 v3, v32  }
0xc0: {  	v3 =	vmin.f32 v3, v24  }
0xc1: {  	[tilespmem:s24+$0xFFFFFFF0] =	vst v3  }
0xc2: {  	s29 =	simm.s32 $0x0;
	v27 =	vimm.f32 $3.000000010e+38;
	v22 =	vld [tilespmem:s25+$0x0]  }
0xc3: {  	s30 =	simm.s32 $0x1C30;
	s31 =	simm.s32 $0x2830;
	s1 =	simm.s32 $0x3430;
	v17 =	vimm.f32 $3.000000010e+38;
	v23 =	vimm.f32 $3.000000010e+38;
	v3 =	vimm.f32 $3.000000010e+38;
	v21 =	vld [tilespmem:s0+$0x0]  }
.LBB2_7:
0xc4: {  	s29 =	sadd.s32 $0x2, s29;
	v25 =	vld [tilespmem:s26+$0x0];
	s25 =	sadd.s32 $0x20, s25;
	s26 =	sadd.s32 $0x20, s26  }
0xc5: {  	p0 =	slt.u32 s29, $0x7E  }
0xc6: {  	v17 =	vmin.f32 v17, v28;
	v26 =	vmin.f32 v27, v32  }
0xc7: {  	v23 =	vmin.f32 v23, v30;
	v27 =	vld [tilespmem:s28+$0x0];
	v28 =	vmul.f32 v22, v7;
	v29 =	vmul.f32 v22, v20;
	s28 =	smov.u32 s30  }
0xc8: {  	v32 =	vmul.f32 v22, v11;
	v30 =	vadd.f32 v21, v10;
	v31 =	vadd.f32 v21, v15  }
0xc9: {  	v34 =	vadd.f32 v21, v13;
	v33 =	vmul.f32 v25, v6;
	v35 =	vmul.f32 v25, v14  }
0xca: {  	v22 =	vmul.f32 v22, v12;
	v28 =	vadd.f32 v30, v28;
	v30 =	vmul.f32 v25, v8  }
0xcb: {  	v21 =	vadd.f32 v21, v9;
	v31 =	vadd.f32 v31, v32;
	v25 =	vmul.f32 v25, v19;
	v36 =	vld [tilespmem:s24+$0x0]  }
0xcc: {  	v22 =	vadd.f32 v34, v22;
	v28 =	vadd.f32 v28, v33;
	v32 =	vmul.f32 v27, v4  }
0xcd: {  	v21 =	vadd.f32 v21, v29;
	v30 =	vadd.f32 v31, v30;
	v31 =	vmul.f32 v27, v5  }
0xce: {  	v22 =	vadd.f32 v22, v25;
	v25 =	vmul.f32 v27, v16;
	v28 =	vadd.f32 v28, v32  }
0xcf: {  	v21 =	vadd.f32 v21, v35;
	v27 =	vmul.f32 v27, v18;
	v29 =	vadd.f32 v30, v31  }
0xd0: {  	v22 =	vadd.f32 v22, v25;
	v17 =	vmin.f32 v17, v28;
	v28 =	vmin.f32 v36, v28  }
0xd1: {  	v21 =	vadd.f32 v21, v27;
	v23 =	vmin.f32 v23, v29;
	v25 =	vmin.f32 v28, v29  }
0xd2: {  	v3 =	vmin.f32 v3, v24;
	v27 =	vmin.f32 v26, v22;
	v22 =	vmin.f32 v25, v22  }
0xd3: {  	v3 =	vmin.f32 v3, v21;
	v21 =	vmin.f32 v22, v21  }
0xd4: {  	[tilespmem:s24+$0x0] =	vst v21;
	s24 =	smov.u32 s1  }
0xd5: {  	v21 =	vld [tilespmem:s31+$0xFFFFFFF0]  }
0xd6: {  	v22 =	vld [tilespmem:s25+$0xFFFFFFF0]  }
0xd7: {  	v24 =	vld [tilespmem:s30+$0xFFFFFFF0]  }
0xd8: {  	v25 =	vld [tilespmem:s26+$0xFFFFFFF0];
	_ =	sdelay $0x1  }
0xd9: {  	v26 =	vadd.f32 v21, v15;
	v28 =	vadd.f32 v21, v9  }
0xda: {  	v29 =	vadd.f32 v21, v10;
	v30 =	vmul.f32 v22, v7;
	v31 =	vmul.f32 v22, v11  }
0xdb: {  	v21 =	vadd.f32 v21, v13;
	v32 =	vmul.f32 v22, v12;
	v22 =	vmul.f32 v22, v20  }
0xdc: {  	v29 =	vadd.f32 v29, v30;
	v30 =	vmul.f32 v25, v6;
	v26 =	vadd.f32 v26, v31  }
0xdd: {  	v33 =	vmul.f32 v25, v8;
	v21 =	vadd.f32 v21, v32;
	v22 =	vadd.f32 v28, v22;
	v31 =	vld [tilespmem:s1+$0xFFFFFFF0]  }
0xde: {  	v28 =	vadd.f32 v29, v30;
	v29 =	vmul.f32 v24, v4;
	v30 =	vmul.f32 v25, v19  }
0xdf: {  	v32 =	vmul.f32 v24, v5;
	v26 =	vadd.f32 v26, v33;
	v25 =	vmul.f32 v25, v14  }
0xe0: {  	v28 =	vadd.f32 v28, v29;
	v21 =	vadd.f32 v21, v30;
	v29 =	vmul.f32 v24, v16  }
0xe1: {  	v30 =	vadd.f32 v26, v32;
	v22 =	vadd.f32 v22, v25;
	v24 =	vmul.f32 v24, v18  }
0xe2: {  	v25 =	vmin.f32 v31, v28;
	v32 =	vadd.f32 v21, v29  }
0xe3: {  	v24 =	vadd.f32 v22, v24;
	v21 =	vmin.f32 v25, v30  }
.Ltmp2:
0xe4: {  	v21 =	vmin.f32 v21, v32;
	(pc) =	sbr.rel @p0 .LBB2_7-.Ltmp2, $4  }
0xe5: {  	v21 =	vmin.f32 v21, v24  }
0xe6: {  	[tilespmem:s1+$0xFFFFFFF0] =	vst v21  }
0xe7: {  	v22 =	vld [tilespmem:s25+$0x0]  }
0xe8: {  	s30 =	sadd.s32 $0x20, s30;
	s1 =	sadd.s32 $0x20, s1;
	v21 =	vld [tilespmem:s31+$0x0];
	s31 =	sadd.s32 $0x20, s31  }
0xe9: {  	_ = 	snop  }
0xea: {  	v25 =	vld [tilespmem:s26+$0x0]  }
0xeb: {  	v26 =	vld [tilespmem:s28+$0x0]  }
0xec: {  	v7 =	vmul.f32 v22, v7  }
0xed: {  	v20 =	vmul.f32 v22, v20;
	v10 =	vadd.f32 v21, v10;
	v15 =	vadd.f32 v21, v15  }
0xee: {  	v11 =	vmul.f32 v22, v11;
	v13 =	vadd.f32 v21, v13;
	v9 =	vadd.f32 v21, v9  }
0xef: {  	v6 =	vmul.f32 v25, v6;
	v7 =	vadd.f32 v10, v7;
	v10 =	vmul.f32 v22, v12  }
0xf0: {  	v8 =	vmul.f32 v25, v8;
	v4 =	vmul.f32 v26, v4;
	v11 =	vadd.f32 v15, v11  }
0xf1: {  	v12 =	vmul.f32 v25, v19;
	v15 =	vld [tilespmem:s24+$0x0];
	v6 =	vadd.f32 v7, v6;
	v7 =	vadd.f32 v13, v10  }
0xf2: {  	v5 =	vmul.f32 v26, v5;
	v9 =	vadd.f32 v9, v20;
	v8 =	vadd.f32 v11, v8  }
0xf3: {  	v10 =	vmul.f32 v25, v14;
	v4 =	vadd.f32 v6, v4;
	v6 =	vadd.f32 v7, v12  }
0xf4: {  	v7 =	vmul.f32 v26, v16;
	v33 =	vadd.f32 v8, v5;
	v5 =	vadd.s32 $0x4, v2  }
0xf5: {  	v8 =	vadd.f32 v9, v10;
	v9 =	vmul.f32 v26, v18;
	v5 =	vbroadcast v5, $0x0  }
0xf6: {  	v10 =	vmin.f32 v15, v4;
	v6 =	vadd.f32 v6, v7  }
0xf7: {  	v34 =	vadd.f32 v8, v9;
	v7 =	vmin.f32 v10, v33  }
0xf8: {  	v7 =	vmin.f32 v7, v6  }
0xf9: {  	v7 =	vmin.f32 v7, v34  }
0xfa: {  	[tilespmem:s24+$0x0] =	vst v7  }
0xfb: {  	v8 =	vadd.s32 $0x5, v2;
	v10 =	vld.idx.msk [tilespmem:v5+s2+$0x0], $0xffff  }
0xfc: {  	v11 =	vbroadcast v8, $0x0;
	v9 =	vld.idx.msk [tilespmem:v5+s13+$0x0], $0xffff  }
0xfd: {  	v7 =	vld.idx.msk [tilespmem:v5+s14+$0x0], $0xffff  }
0xfe: {  	s0 =	simm.s32 $0x2810;
	v15 =	vld.idx.msk [tilespmem:v5+s18+$0x0], $0xffff  }
0xff: {  	s26 =	simm.s32 $0x1410;
	v5 =	vld [tilespmem:s0+$0xFFFFFFF0]  }
0x100: {  	s28 =	simm.s32 $0x1C10;
	v8 =	vadd.s32 $0x6, v2;
	v29 =	vld [tilespmem:s26+$0xFFFFFFF0]  }
0x101: {  	v2 =	vadd.s32 $0x7, v2;
	v18 =	vbroadcast v8, $0x0;
	v35 =	vld [tilespmem:s28+$0xFFFFFFF0]  }
0x102: {  	v2 =	vbroadcast v2, $0x0;
	v16 =	vld.idx.msk [tilespmem:v11+s2+$0x0], $0xffff  }
0x103: {  	v12 =	vld.idx.msk [tilespmem:v11+s13+$0x0], $0xffff  }
0x104: {  	v8 =	vld.idx.msk [tilespmem:v11+s14+$0x0], $0xffff  }
0x105: {  	s25 =	simm.s32 $0xC10;
	v21 =	vld.idx.msk [tilespmem:v11+s18+$0x0], $0xffff  }
0x106: {  	v11 =	vld [tilespmem:s25+$0xFFFFFFF0]  }
0x107: {  	v14 =	vld.idx.msk [tilespmem:v18+s2+$0x0], $0xffff  }
0x108: {  	v13 =	vld.idx.msk [tilespmem:v2+s18+$0x0], $0xffff  }
0x109: {  	v20 =	vld.idx.msk [tilespmem:v18+s18+$0x0], $0xffff  }
0x10a: {  	v25 =	vld.idx.msk [tilespmem:v2+s2+$0x0], $0xffff  }
0x10b: {  	v22 =	vld.idx.msk [tilespmem:v18+s13+$0x0], $0xffff;
	v37 =	vadd.f32 v5, v15;
	v57 =	vmul.f32 v29, v9  }
0x10c: {  	v26 =	vld.idx.msk [tilespmem:v2+s13+$0x0], $0xffff;
	v60 =	vmul.f32 v35, v7;
	v31 =	vadd.f32 v5, v21;
	v38 =	vmul.f32 v11, v10  }
0x10d: {  	v19 =	vld.idx.msk [tilespmem:v18+s14+$0x0], $0xffff;
	v39 =	vmul.f32 v11, v16;
	v59 =	vmul.f32 v29, v12;
	v36 =	vadd.f32 v5, v13  }
0x10e: {  	s24 =	simm.s32 $0x3410;
	v18 =	vld.idx.msk [tilespmem:v2+s14+$0x0], $0xffff;
	v5 =	vadd.f32 v5, v20;
	v40 =	vmul.f32 v11, v14;
	v2 =	vadd.f32 v37, v38  }
0x10f: {  	v58 =	vld [tilespmem:s24+$0xFFFFFFF0];
	v62 =	vmul.f32 v35, v8;
	v11 =	vmul.f32 v11, v25;
	v31 =	vadd.f32 v31, v39  }
0x110: {  	v61 =	vmul.f32 v29, v22;
	v5 =	vadd.f32 v5, v40;
	v2 =	vadd.f32 v2, v57  }
0x111: {  	v63 =	vmul.f32 v29, v26;
	v11 =	vadd.f32 v36, v11;
	v31 =	vadd.f32 v31, v59  }
0x112: {  	v29 =	vadd.f32 v2, v60;
	v2 =	vadd.f32 v5, v61;
	v5 =	vmul.f32 v35, v19  }
0x113: {  	v11 =	vadd.f32 v11, v63;
	v31 =	vadd.f32 v31, v62;
	v35 =	vmul.f32 v35, v18  }
0x114: {  	v36 =	vadd.f32 v2, v5;
	v2 =	vmin.f32 v58, v29  }
0x115: {  	v11 =	vadd.f32 v11, v35;
	v2 =	vmin.f32 v2, v31  }
0x116: {  	v23 =	vmin.f32 v23, v30;
	v2 =	vmin.f32 v2, v36  }
0x117: {  	v5 =	vmin.f32 v17, v28;
	v17 =	vmin.f32 v27, v32;
	v2 =	vmin.f32 v2, v11  }
0x118: {  	v5 =	vmin.f32 v5, v4;
	v4 =	vmin.f32 v23, v33;
	v23 =	vmin.f32 v3, v24;
	[tilespmem:s24+$0xFFFFFFF0] =	vst v2  }
0x119: {  	s29 =	simm.s32 $0x0;
	v3 =	vmin.f32 v17, v6;
	v17 =	vimm.f32 $3.000000010e+38;
	v24 =	vimm.f32 $3.000000010e+38;
	v28 =	vld [tilespmem:s25+$0x0]  }
0x11a: {  	s30 =	simm.s32 $0x1C30;
	s31 =	simm.s32 $0x2830;
	s1 =	simm.s32 $0x3430;
	v6 =	vimm.f32 $3.000000010e+38;
	v2 =	vmin.f32 v23, v34;
	v23 =	vimm.f32 $3.000000010e+38;
	v27 =	vld [tilespmem:s0+$0x0]  }
.LBB2_9:
0x11b: {  	s29 =	sadd.s32 $0x2, s29;
	v30 =	vld [tilespmem:s26+$0x0];
	s25 =	sadd.s32 $0x20, s25;
	s26 =	sadd.s32 $0x20, s26  }
0x11c: {  	p0 =	slt.u32 s29, $0x7E  }
0x11d: {  	v17 =	vmin.f32 v17, v29;
	v24 =	vmin.f32 v24, v36  }
0x11e: {  	v23 =	vmin.f32 v23, v31;
	v29 =	vld [tilespmem:s28+$0x0];
	v31 =	vmul.f32 v28, v10;
	v32 =	vmul.f32 v28, v25;
	s28 =	smov.u32 s30  }
0x11f: {  	v35 =	vmul.f32 v28, v16;
	v33 =	vadd.f32 v27, v15;
	v34 =	vadd.f32 v27, v21  }
0x120: {  	v37 =	vadd.f32 v27, v20;
	v36 =	vmul.f32 v30, v9;
	v38 =	vmul.f32 v30, v26  }
0x121: {  	v28 =	vmul.f32 v28, v14;
	v31 =	vadd.f32 v33, v31;
	v33 =	vmul.f32 v30, v12  }
0x122: {  	v27 =	vadd.f32 v27, v13;
	v34 =	vadd.f32 v34, v35;
	v30 =	vmul.f32 v30, v22;
	v39 =	vld [tilespmem:s24+$0x0]  }
0x123: {  	v28 =	vadd.f32 v37, v28;
	v31 =	vadd.f32 v31, v36;
	v35 =	vmul.f32 v29, v7  }
0x124: {  	v27 =	vadd.f32 v27, v32;
	v33 =	vadd.f32 v34, v33;
	v34 =	vmul.f32 v29, v8  }
0x125: {  	v28 =	vadd.f32 v28, v30;
	v30 =	vmul.f32 v29, v19;
	v31 =	vadd.f32 v31, v35  }
0x126: {  	v27 =	vadd.f32 v27, v38;
	v29 =	vmul.f32 v29, v18;
	v32 =	vadd.f32 v33, v34  }
0x127: {  	v28 =	vadd.f32 v28, v30;
	v17 =	vmin.f32 v17, v31;
	v31 =	vmin.f32 v39, v31  }
0x128: {  	v27 =	vadd.f32 v27, v29;
	v23 =	vmin.f32 v23, v32;
	v30 =	vmin.f32 v31, v32  }
0x129: {  	v6 =	vmin.f32 v6, v11;
	v24 =	vmin.f32 v24, v28;
	v11 =	vmin.f32 v30, v28  }
0x12a: {  	v6 =	vmin.f32 v6, v27;
	v11 =	vmin.f32 v11, v27  }
0x12b: {  	[tilespmem:s24+$0x0] =	vst v11;
	s24 =	smov.u32 s1  }
0x12c: {  	v11 =	vld [tilespmem:s31+$0xFFFFFFF0]  }
0x12d: {  	v27 =	vld [tilespmem:s25+$0xFFFFFFF0]  }
0x12e: {  	v28 =	vld [tilespmem:s30+$0xFFFFFFF0]  }
0x12f: {  	v29 =	vld [tilespmem:s26+$0xFFFFFFF0];
	_ =	sdelay $0x1  }
0x130: {  	v30 =	vadd.f32 v11, v21;
	v31 =	vadd.f32 v11, v13  }
0x131: {  	v32 =	vadd.f32 v11, v15;
	v33 =	vmul.f32 v27, v10;
	v34 =	vmul.f32 v27, v16  }
0x132: {  	v11 =	vadd.f32 v11, v20;
	v35 =	vmul.f32 v27, v14;
	v27 =	vmul.f32 v27, v25  }
0x133: {  	v32 =	vadd.f32 v32, v33;
	v33 =	vmul.f32 v29, v9;
	v30 =	vadd.f32 v30, v34  }
0x134: {  	v36 =	vmul.f32 v29, v12;
	v11 =	vadd.f32 v11, v35;
	v27 =	vadd.f32 v31, v27;
	v34 =	vld [tilespmem:s1+$0xFFFFFFF0]  }
0x135: {  	v31 =	vadd.f32 v32, v33;
	v32 =	vmul.f32 v28, v7;
	v33 =	vmul.f32 v29, v22  }
0x136: {  	v35 =	vmul.f32 v28, v8;
	v30 =	vadd.f32 v30, v36;
	v36 =	vmul.f32 v29, v26  }
0x137: {  	v29 =	vadd.f32 v31, v32;
	v11 =	vadd.f32 v11, v33;
	v32 =	vmul.f32 v28, v19  }
0x138: {  	v31 =	vadd.f32 v30, v35;
	v27 =	vadd.f32 v27, v36;
	v28 =	vmul.f32 v28, v18  }
0x139: {  	v30 =	vmin.f32 v34, v29;
	v36 =	vadd.f32 v11, v32  }
0x13a: {  	v11 =	vadd.f32 v27, v28;
	v30 =	vmin.f32 v30, v31  }
.Ltmp3:
0x13b: {  	v27 =	vmin.f32 v30, v36;
	(pc) =	sbr.rel @p0 .LBB2_9-.Ltmp3, $4  }
0x13c: {  	v27 =	vmin.f32 v27, v11  }
0x13d: {  	[tilespmem:s1+$0xFFFFFFF0] =	vst v27  }
0x13e: {  	v28 =	vld [tilespmem:s25+$0x0]  }
0x13f: {  	s30 =	sadd.s32 $0x20, s30;
	s1 =	sadd.s32 $0x20, s1;
	v27 =	vld [tilespmem:s31+$0x0];
	s31 =	sadd.s32 $0x20, s31  }
0x140: {  	_ = 	snop  }
0x141: {  	v30 =	vld [tilespmem:s26+$0x0]  }
0x142: {  	v32 =	vld [tilespmem:s28+$0x0]  }
0x143: {  	v10 =	vmul.f32 v28, v10;
	v25 =	vmul.f32 v28, v25  }
0x144: {  	v16 =	vmul.f32 v28, v16;
	v15 =	vadd.f32 v27, v15;
	v21 =	vadd.f32 v27, v21  }
0x145: {  	v14 =	vmul.f32 v28, v14;
	v20 =	vadd.f32 v27, v20;
	v13 =	vadd.f32 v27, v13  }
0x146: {  	v9 =	vmul.f32 v30, v9;
	v26 =	vmul.f32 v30, v26;
	v10 =	vadd.f32 v15, v10  }
0x147: {  	v12 =	vmul.f32 v30, v12;
	v7 =	vmul.f32 v32, v7;
	v15 =	vadd.f32 v21, v16  }
0x148: {  	v8 =	vmul.f32 v32, v8;
	v21 =	vld [tilespmem:s24+$0x0];
	v13 =	vadd.f32 v13, v25;
	v9 =	vadd.f32 v10, v9  }
0x149: {  	s0 =	sor.u32 $0x8, s23;
	v16 =	vmul.f32 v30, v22;
	v10 =	vadd.f32 v20, v14;
	v12 =	vadd.f32 v15, v12  }
0x14a: {  	v15 =	vmul.f32 v32, v19;
	v7 =	vadd.f32 v9, v7;
	v9 =	vmov s0  }
0x14b: {  	v14 =	vadd.f32 v10, v16;
	v8 =	vadd.f32 v12, v8;
	v9 =	vshrl.u32 v9, $0x3  }
0x14c: {  	s25 =	sor.u32 $0x9, s23;
	v12 =	vadd.f32 v13, v26;
	v10 =	vshll.u32 v9, v1;
	v9 =	vmul.f32 v32, v18  }
0x14d: {  	v16 =	vmov s25;
	v18 =	vmin.f32 v21, v7;
	v38 =	vadd.f32 v14, v15  }
0x14e: {  	v13 =	vbroadcast v10, $0x0;
	v15 =	vmin.f32 v18, v8;
	v39 =	vadd.f32 v12, v9  }
0x14f: {  	v14 =	vshrl.u32 v16, $0x3;
	v12 =	vmin.f32 v15, v38  }
0x150: {  	v9 =	vshll.u32 v14, v1;
	v12 =	vmin.f32 v12, v39  }
0x151: {  	s26 =	sor.u32 $0xA, s23;
	s25 =	simm.s32 $0xC10;
	v9 =	vadd.s32 $0x1, v9;
	[tilespmem:s24+$0x0] =	vst v12  }
0x152: {  	v14 =	vmov s26;
	s26 =	simm.s32 $0x1410;
	v9 =	vbroadcast v9, $0x0;
	v34 =	vld [tilespmem:s25+$0xFFFFFFF0]  }
0x153: {  	v35 =	vld [tilespmem:s26+$0xFFFFFFF0]  }
0x154: {  	s1 =	sor.u32 $0xB, s23;
	v12 =	vshrl.u32 v14, $0x3;
	v15 =	vld.idx.msk [tilespmem:v13+s2+$0x0], $0xffff  }
0x155: {  	v16 =	vmov s1;
	v12 =	vshll.u32 v12, v1;
	v14 =	vld.idx.msk [tilespmem:v13+s13+$0x0], $0xffff  }
0x156: {  	v16 =	vshrl.u32 v16, $0x3;
	v18 =	vadd.s32 $0x2, v12;
	v12 =	vld.idx.msk [tilespmem:v13+s14+$0x0], $0xffff  }
0x157: {  	v16 =	vshll.u32 v16, v1;
	v21 =	vld.idx.msk [tilespmem:v13+s18+$0x0], $0xffff;
	v20 =	vbroadcast v18, $0x0  }
0x158: {  	v13 =	vadd.s32 $0x3, v16;
	v22 =	vld.idx.msk [tilespmem:v9+s2+$0x0], $0xffff  }
0x159: {  	v26 =	vbroadcast v13, $0x0;
	v16 =	vld.idx.msk [tilespmem:v9+s13+$0x0], $0xffff  }
0x15a: {  	v13 =	vld.idx.msk [tilespmem:v9+s14+$0x0], $0xffff  }
0x15b: {  	s15 =	simm.s32 $0x2810;
	v27 =	vld.idx.msk [tilespmem:v9+s18+$0x0], $0xffff  }
0x15c: {  	v9 =	vld [tilespmem:s15+$0xFFFFFFF0]  }
0x15d: {  	v19 =	vld.idx.msk [tilespmem:v20+s2+$0x0], $0xffff  }
0x15e: {  	v25 =	vld.idx.msk [tilespmem:v20+s18+$0x0], $0xffff  }
0x15f: {  	s28 =	simm.s32 $0x1C10;
	v18 =	vld.idx.msk [tilespmem:v26+s18+$0x0], $0xffff  }
0x160: {  	v37 =	vld [tilespmem:s28+$0xFFFFFFF0]  }
0x161: {  	v32 =	vld.idx.msk [tilespmem:v26+s2+$0x0], $0xffff  }
0x162: {  	v43 =	vmul.f32 v34, v15;
	v56 =	vmul.f32 v35, v14;
	v30 =	vld.idx.msk [tilespmem:v20+s13+$0x0], $0xffff  }
0x163: {  	v33 =	vld.idx.msk [tilespmem:v26+s13+$0x0], $0xffff;
	v40 =	vadd.f32 v9, v27;
	v42 =	vadd.f32 v9, v21;
	v44 =	vmul.f32 v34, v22  }
0x164: {  	v28 =	vld.idx.msk [tilespmem:v20+s14+$0x0], $0xffff;
	v41 =	vadd.f32 v9, v18;
	v9 =	vadd.f32 v9, v25;
	v20 =	vmul.f32 v34, v19  }
0x165: {  	s24 =	simm.s32 $0x3410;
	v59 =	vmul.f32 v37, v12;
	v26 =	vld.idx.msk [tilespmem:v26+s14+$0x0], $0xffff;
	v42 =	vadd.f32 v42, v43;
	v40 =	vadd.f32 v40, v44  }
0x166: {  	v57 =	vld [tilespmem:s24+$0xFFFFFFF0];
	v34 =	vmul.f32 v34, v32;
	v9 =	vadd.f32 v9, v20;
	v20 =	vmul.f32 v35, v16  }
0x167: {  	v61 =	vmul.f32 v37, v13;
	v58 =	vadd.f32 v42, v56;
	v60 =	vmul.f32 v35, v30  }
0x168: {  	v45 =	vmul.f32 v35, v33;
	v41 =	vadd.f32 v41, v34;
	v20 =	vadd.f32 v40, v20  }
0x169: {  	v62 =	vmul.f32 v37, v28;
	v34 =	vadd.f32 v58, v59;
	v9 =	vadd.f32 v9, v60  }
0x16a: {  	v63 =	vmul.f32 v37, v26;
	v35 =	vadd.f32 v20, v61;
	v20 =	vadd.f32 v41, v45  }
0x16b: {  	v37 =	vadd.f32 v9, v62;
	v9 =	vmin.f32 v57, v34  }
0x16c: {  	v20 =	vadd.f32 v20, v63;
	v9 =	vmin.f32 v9, v35  }
0x16d: {  	v17 =	vmin.f32 v17, v29;
	v9 =	vmin.f32 v9, v37  }
0x16e: {  	v24 =	vmin.f32 v24, v36;
	v23 =	vmin.f32 v23, v31;
	v29 =	vmin.f32 v9, v20  }
0x16f: {  	v6 =	vmin.f32 v6, v11;
	v31 =	vimm.f32 $3.000000010e+38;
	v11 =	vimm.f32 $3.000000010e+38;
	[tilespmem:s24+$0xFFFFFFF0] =	vst v29  }
0x170: {  	s29 =	simm.s32 $0x0;
	v8 =	vmin.f32 v23, v8;
	v6 =	vmin.f32 v6, v39;
	v9 =	vmin.f32 v17, v7;
	v23 =	vld [tilespmem:s25+$0x0]  }
0x171: {  	s30 =	simm.s32 $0x1C30;
	s31 =	simm.s32 $0x2830;
	s1 =	simm.s32 $0x3430;
	v7 =	vmin.f32 v24, v38;
	v24 =	vimm.f32 $3.000000010e+38;
	v29 =	vimm.f32 $3.000000010e+38;
	v17 =	vld [tilespmem:s15+$0x0]  }
.LBB2_11:
0x172: {  	s29 =	sadd.s32 $0x2, s29;
	v36 =	vld [tilespmem:s26+$0x0];
	s25 =	sadd.s32 $0x20, s25;
	s26 =	sadd.s32 $0x20, s26  }
0x173: {  	p0 =	slt.u32 s29, $0x7E  }
0x174: {  	v24 =	vmin.f32 v24, v34;
	v31 =	vmin.f32 v31, v37  }
0x175: {  	v29 =	vmin.f32 v29, v35;
	v34 =	vld [tilespmem:s28+$0x0];
	v35 =	vmul.f32 v23, v15;
	v37 =	vmul.f32 v23, v32;
	s28 =	smov.u32 s30  }
0x176: {  	v40 =	vmul.f32 v23, v22;
	v38 =	vadd.f32 v17, v21;
	v39 =	vadd.f32 v17, v27  }
0x177: {  	v42 =	vadd.f32 v17, v25;
	v41 =	vmul.f32 v36, v14;
	v43 =	vmul.f32 v36, v33  }
0x178: {  	v23 =	vmul.f32 v23, v19;
	v35 =	vadd.f32 v38, v35;
	v38 =	vmul.f32 v36, v16  }
0x179: {  	v17 =	vadd.f32 v17, v18;
	v39 =	vadd.f32 v39, v40;
	v36 =	vmul.f32 v36, v30;
	v44 =	vld [tilespmem:s24+$0x0]  }
0x17a: {  	v23 =	vadd.f32 v42, v23;
	v35 =	vadd.f32 v35, v41;
	v40 =	vmul.f32 v34, v12  }
0x17b: {  	v17 =	vadd.f32 v17, v37;
	v38 =	vadd.f32 v39, v38;
	v39 =	vmul.f32 v34, v13  }
0x17c: {  	v23 =	vadd.f32 v23, v36;
	v36 =	vmul.f32 v34, v28;
	v35 =	vadd.f32 v35, v40  }
0x17d: {  	v17 =	vadd.f32 v17, v43;
	v34 =	vmul.f32 v34, v26;
	v37 =	vadd.f32 v38, v39  }
0x17e: {  	v23 =	vadd.f32 v23, v36;
	v24 =	vmin.f32 v24, v35;
	v35 =	vmin.f32 v44, v35  }
0x17f: {  	v17 =	vadd.f32 v17, v34;
	v29 =	vmin.f32 v29, v37;
	v35 =	vmin.f32 v35, v37  }
0x180: {  	v11 =	vmin.f32 v11, v20;
	v31 =	vmin.f32 v31, v23;
	v20 =	vmin.f32 v35, v23  }
0x181: {  	v11 =	vmin.f32 v11, v17;
	v17 =	vmin.f32 v20, v17  }
0x182: {  	[tilespmem:s24+$0x0] =	vst v17;
	s24 =	smov.u32 s1  }
0x183: {  	v17 =	vld [tilespmem:s31+$0xFFFFFFF0]  }
0x184: {  	v20 =	vld [tilespmem:s25+$0xFFFFFFF0]  }
0x185: {  	v23 =	vld [tilespmem:s30+$0xFFFFFFF0]  }
0x186: {  	v34 =	vld [tilespmem:s26+$0xFFFFFFF0];
	_ =	sdelay $0x1  }
0x187: {  	v35 =	vadd.f32 v17, v27;
	v36 =	vadd.f32 v17, v18  }
0x188: {  	v37 =	vadd.f32 v17, v21;
	v38 =	vmul.f32 v20, v15;
	v39 =	vmul.f32 v20, v22  }
0x189: {  	v17 =	vadd.f32 v17, v25;
	v40 =	vmul.f32 v20, v19;
	v20 =	vmul.f32 v20, v32  }
0x18a: {  	v37 =	vadd.f32 v37, v38;
	v38 =	vmul.f32 v34, v14;
	v35 =	vadd.f32 v35, v39  }
0x18b: {  	v41 =	vmul.f32 v34, v16;
	v17 =	vadd.f32 v17, v40;
	v20 =	vadd.f32 v36, v20;
	v39 =	vld [tilespmem:s1+$0xFFFFFFF0]  }
0x18c: {  	v36 =	vadd.f32 v37, v38;
	v37 =	vmul.f32 v23, v12;
	v38 =	vmul.f32 v34, v30  }
0x18d: {  	v40 =	vmul.f32 v23, v13;
	v35 =	vadd.f32 v35, v41;
	v41 =	vmul.f32 v34, v33  }
0x18e: {  	v34 =	vadd.f32 v36, v37;
	v17 =	vadd.f32 v17, v38;
	v36 =	vmul.f32 v23, v28  }
0x18f: {  	v35 =	vadd.f32 v35, v40;
	v20 =	vadd.f32 v20, v41;
	v23 =	vmul.f32 v23, v26  }
0x190: {  	v38 =	vmin.f32 v39, v34;
	v37 =	vadd.f32 v17, v36  }
0x191: {  	v20 =	vadd.f32 v20, v23;
	v17 =	vmin.f32 v38, v35  }
.Ltmp4:
0x192: {  	v17 =	vmin.f32 v17, v37;
	(pc) =	sbr.rel @p0 .LBB2_11-.Ltmp4, $4  }
0x193: {  	v17 =	vmin.f32 v17, v20  }
0x194: {  	[tilespmem:s1+$0xFFFFFFF0] =	vst v17  }
0x195: {  	v23 =	vld [tilespmem:s25+$0x0]  }
0x196: {  	s30 =	sadd.s32 $0x20, s30;
	s1 =	sadd.s32 $0x20, s1;
	v17 =	vld [tilespmem:s31+$0x0];
	s31 =	sadd.s32 $0x20, s31  }
0x197: {  	_ = 	snop  }
0x198: {  	v36 =	vld [tilespmem:s26+$0x0];
	_ =	sdelay $0x1  }
0x199: {  	v38 =	vld [tilespmem:s28+$0x0];
	v10 =	vadd.s32 $0x4, v10  }
0x19a: {  	v15 =	vmul.f32 v23, v15;
	v32 =	vmul.f32 v23, v32;
	v21 =	vadd.f32 v17, v21  }
0x19b: {  	v22 =	vmul.f32 v23, v22;
	v19 =	vmul.f32 v23, v19;
	v27 =	vadd.f32 v17, v27  }
0x19c: {  	v25 =	vadd.f32 v17, v25;
	v14 =	vmul.f32 v36, v14;
	v15 =	vadd.f32 v21, v15  }
0x19d: {  	v17 =	vadd.f32 v17, v18;
	v16 =	vmul.f32 v36, v16;
	v21 =	vadd.f32 v27, v22  }
0x19e: {  	v18 =	vld [tilespmem:s24+$0x0];
	v12 =	vmul.f32 v38, v12;
	v13 =	vmul.f32 v38, v13;
	v14 =	vadd.f32 v15, v14  }
0x19f: {  	v22 =	vmul.f32 v36, v30;
	v15 =	vadd.f32 v25, v19;
	v16 =	vadd.f32 v21, v16  }
0x1a0: {  	v33 =	vmul.f32 v36, v33;
	v17 =	vadd.f32 v17, v32;
	v40 =	vadd.f32 v14, v12  }
0x1a1: {  	v12 =	vadd.f32 v15, v22;
	v14 =	vmul.f32 v38, v28;
	v41 =	vadd.f32 v16, v13  }
0x1a2: {  	s0 =	sor.u32 $0xD, s23;
	v13 =	vadd.f32 v17, v33;
	v15 =	vmul.f32 v38, v26;
	v16 =	vbroadcast v10, $0x0  }
0x1a3: {  	v10 =	vmov s0;
	v17 =	vmin.f32 v18, v40;
	v33 =	vadd.f32 v12, v14  }
0x1a4: {  	v10 =	vshrl.u32 v10, $0x3;
	v42 =	vadd.f32 v13, v15;
	v12 =	vmin.f32 v17, v41  }
0x1a5: {  	v10 =	vshll.u32 v10, v1;
	v12 =	vmin.f32 v12, v33  }
0x1a6: {  	s26 =	sor.u32 $0xE, s23;
	v10 =	vadd.s32 $0x5, v10;
	v12 =	vmin.f32 v12, v42  }
0x1a7: {  	v15 =	vbroadcast v10, $0x0;
	v10 =	vmov s26;
	[tilespmem:s24+$0x0] =	vst v12  }
0x1a8: {  	v10 =	vshrl.u32 v10, $0x3;
	v14 =	vld.idx.msk [tilespmem:v16+s2+$0x0], $0xffff  }
0x1a9: {  	v10 =	vshll.u32 v10, v1;
	v13 =	vld.idx.msk [tilespmem:v16+s13+$0x0], $0xffff  }
0x1aa: {  	s15 =	simm.s32 $0x2810;
	v17 =	vadd.s32 $0x6, v10;
	v10 =	vld.idx.msk [tilespmem:v16+s14+$0x0], $0xffff  }
0x1ab: {  	s1 =	sor.u32 $0xF, s23;
	s25 =	simm.s32 $0xC10;
	v28 =	vld [tilespmem:s15+$0xFFFFFFF0]  }
0x1ac: {  	s26 =	simm.s32 $0x1410;
	v12 =	vmov s1;
	v51 =	vld [tilespmem:s25+$0xFFFFFFF0]  }
0x1ad: {  	s28 =	simm.s32 $0x1C10;
	v12 =	vshrl.u32 v12, $0x3;
	v52 =	vld [tilespmem:s26+$0xFFFFFFF0]  }
0x1ae: {  	v39 =	vld [tilespmem:s28+$0xFFFFFFF0];
	v21 =	vbroadcast v17, $0x0;
	v12 =	vshll.u32 v12, v1  }
0x1af: {  	v17 =	vld.idx.msk [tilespmem:v16+s18+$0x0], $0xffff;
	v12 =	vadd.s32 $0x7, v12  }
0x1b0: {  	v18 =	vld.idx.msk [tilespmem:v15+s2+$0x0], $0xffff;
	v22 =	vbroadcast v12, $0x0  }
0x1b1: {  	v16 =	vld.idx.msk [tilespmem:v15+s13+$0x0], $0xffff  }
0x1b2: {  	v12 =	vld.idx.msk [tilespmem:v15+s14+$0x0], $0xffff  }
0x1b3: {  	v26 =	vld.idx.msk [tilespmem:v15+s18+$0x0], $0xffff  }
0x1b4: {  	v19 =	vld.idx.msk [tilespmem:v21+s2+$0x0], $0xffff  }
0x1b5: {  	v25 =	vld.idx.msk [tilespmem:v21+s18+$0x0], $0xffff  }
0x1b6: {  	v15 =	vld.idx.msk [tilespmem:v22+s18+$0x0], $0xffff  }
0x1b7: {  	v30 =	vld.idx.msk [tilespmem:v22+s2+$0x0], $0xffff  }
0x1b8: {  	v45 =	vmul.f32 v51, v14;
	v44 =	vadd.f32 v28, v17;
	v27 =	vld.idx.msk [tilespmem:v21+s13+$0x0], $0xffff  }
0x1b9: {  	v54 =	vmul.f32 v52, v13;
	v58 =	vmul.f32 v39, v10;
	v53 =	vadd.f32 v28, v26;
	v23 =	vld.idx.msk [tilespmem:v22+s13+$0x0], $0xffff  }
0x1ba: {  	v21 =	vld.idx.msk [tilespmem:v21+s14+$0x0], $0xffff;
	v46 =	vmul.f32 v51, v18;
	v44 =	vadd.f32 v44, v45;
	v56 =	vmul.f32 v52, v16  }
0x1bb: {  	s24 =	simm.s32 $0x3410;
	v22 =	vld.idx.msk [tilespmem:v22+s14+$0x0], $0xffff;
	v47 =	vmul.f32 v51, v19;
	v43 =	vadd.f32 v28, v15;
	v28 =	vadd.f32 v28, v25  }
0x1bc: {  	v55 =	vld [tilespmem:s24+$0xFFFFFFF0];
	v60 =	vmul.f32 v39, v12;
	v38 =	vadd.f32 v53, v46;
	v32 =	vmul.f32 v51, v30  }
0x1bd: {  	v57 =	vadd.f32 v44, v54;
	v59 =	vmul.f32 v52, v27;
	v28 =	vadd.f32 v28, v47  }
0x1be: {  	v38 =	vadd.f32 v38, v56;
	v48 =	vmul.f32 v52, v23;
	v32 =	vadd.f32 v43, v32  }
0x1bf: {  	v36 =	vadd.f32 v57, v58;
	v61 =	vmul.f32 v39, v21;
	v28 =	vadd.f32 v28, v59  }
0x1c0: {  	v38 =	vadd.f32 v38, v60;
	v62 =	vmul.f32 v39, v22;
	v32 =	vadd.f32 v32, v48  }
0x1c1: {  	v39 =	vadd.f32 v28, v61;
	v28 =	vmin.f32 v55, v36  }
0x1c2: {  	v32 =	vadd.f32 v32, v62;
	v28 =	vmin.f32 v28, v38  }
0x1c3: {  	v24 =	vmin.f32 v24, v34;
	v28 =	vmin.f32 v28, v39  }
0x1c4: {  	v31 =	vmin.f32 v31, v37;
	v29 =	vmin.f32 v29, v35;
	v63 =	vmin.f32 v28, v32  }
0x1c5: {  	v11 =	vmin.f32 v11, v20;
	v34 =	vimm.f32 $3.000000010e+38;
	v20 =	vmin.f32 v31, v33;
	[tilespmem:s24+$0xFFFFFFF0] =	vst v63  }
0x1c6: {  	s29 =	simm.s32 $0x0;
	v11 =	vmin.f32 v11, v42;
	v31 =	vimm.f32 $3.000000010e+38;
	v33 =	vimm.f32 $3.000000010e+38;
	v37 =	vld [tilespmem:s25+$0x0]  }
0x1c7: {  	s30 =	simm.s32 $0x1C30;
	s31 =	simm.s32 $0x2830;
	s1 =	simm.s32 $0x3430;
	v28 =	vmin.f32 v24, v40;
	v24 =	vmin.f32 v29, v41;
	v29 =	vimm.f32 $3.000000010e+38;
	v35 =	vld [tilespmem:s15+$0x0]  }
.LBB2_13:
0x1c8: {  	s29 =	sadd.s32 $0x2, s29;
	v40 =	vld [tilespmem:s26+$0x0];
	s25 =	sadd.s32 $0x20, s25;
	s26 =	sadd.s32 $0x20, s26  }
0x1c9: {  	p0 =	slt.u32 s29, $0x7E  }
0x1ca: {  	v31 =	vmin.f32 v31, v36;
	v34 =	vmin.f32 v34, v39  }
0x1cb: {  	v33 =	vmin.f32 v33, v38;
	v36 =	vld [tilespmem:s28+$0x0];
	v38 =	vmul.f32 v37, v14;
	v39 =	vmul.f32 v37, v30;
	s28 =	smov.u32 s30  }
0x1cc: {  	v43 =	vmul.f32 v37, v18;
	v41 =	vadd.f32 v35, v17;
	v42 =	vadd.f32 v35, v26  }
0x1cd: {  	v45 =	vadd.f32 v35, v25;
	v44 =	vmul.f32 v40, v13;
	v46 =	vmul.f32 v40, v23  }
0x1ce: {  	v37 =	vmul.f32 v37, v19;
	v38 =	vadd.f32 v41, v38;
	v41 =	vmul.f32 v40, v16  }
0x1cf: {  	v35 =	vadd.f32 v35, v15;
	v42 =	vadd.f32 v42, v43;
	v40 =	vmul.f32 v40, v27;
	v47 =	vld [tilespmem:s24+$0x0]  }
0x1d0: {  	v37 =	vadd.f32 v45, v37;
	v38 =	vadd.f32 v38, v44;
	v43 =	vmul.f32 v36, v10  }
0x1d1: {  	v35 =	vadd.f32 v35, v39;
	v41 =	vadd.f32 v42, v41;
	v42 =	vmul.f32 v36, v12  }
0x1d2: {  	v37 =	vadd.f32 v37, v40;
	v39 =	vmul.f32 v36, v21;
	v38 =	vadd.f32 v38, v43  }
0x1d3: {  	v35 =	vadd.f32 v35, v46;
	v36 =	vmul.f32 v36, v22;
	v40 =	vadd.f32 v41, v42  }
0x1d4: {  	v37 =	vadd.f32 v37, v39;
	v31 =	vmin.f32 v31, v38;
	v38 =	vmin.f32 v47, v38  }
0x1d5: {  	v35 =	vadd.f32 v35, v36;
	v33 =	vmin.f32 v33, v40;
	v38 =	vmin.f32 v38, v40  }
0x1d6: {  	v29 =	vmin.f32 v29, v32;
	v34 =	vmin.f32 v34, v37;
	v32 =	vmin.f32 v38, v37  }
0x1d7: {  	v29 =	vmin.f32 v29, v35;
	v32 =	vmin.f32 v32, v35  }
0x1d8: {  	[tilespmem:s24+$0x0] =	vst v32;
	s24 =	smov.u32 s1  }
0x1d9: {  	v32 =	vld [tilespmem:s31+$0xFFFFFFF0]  }
0x1da: {  	v35 =	vld [tilespmem:s25+$0xFFFFFFF0]  }
0x1db: {  	v37 =	vld [tilespmem:s30+$0xFFFFFFF0]  }
0x1dc: {  	v36 =	vld [tilespmem:s26+$0xFFFFFFF0];
	_ =	sdelay $0x1  }
0x1dd: {  	v38 =	vadd.f32 v32, v26;
	v39 =	vadd.f32 v32, v15  }
0x1de: {  	v40 =	vadd.f32 v32, v17;
	v41 =	vmul.f32 v35, v14;
	v42 =	vmul.f32 v35, v18  }
0x1df: {  	v32 =	vadd.f32 v32, v25;
	v43 =	vmul.f32 v35, v19;
	v35 =	vmul.f32 v35, v30  }
0x1e0: {  	v40 =	vadd.f32 v40, v41;
	v41 =	vmul.f32 v36, v13;
	v38 =	vadd.f32 v38, v42  }
0x1e1: {  	v44 =	vmul.f32 v36, v16;
	v32 =	vadd.f32 v32, v43;
	v35 =	vadd.f32 v39, v35;
	v42 =	vld [tilespmem:s1+$0xFFFFFFF0]  }
0x1e2: {  	v39 =	vadd.f32 v40, v41;
	v40 =	vmul.f32 v37, v10;
	v41 =	vmul.f32 v36, v27  }
0x1e3: {  	v43 =	vmul.f32 v37, v12;
	v38 =	vadd.f32 v38, v44;
	v44 =	vmul.f32 v36, v23  }
0x1e4: {  	v36 =	vadd.f32 v39, v40;
	v32 =	vadd.f32 v32, v41;
	v39 =	vmul.f32 v37, v21  }
0x1e5: {  	v38 =	vadd.f32 v38, v43;
	v35 =	vadd.f32 v35, v44;
	v37 =	vmul.f32 v37, v22  }
0x1e6: {  	v40 =	vmin.f32 v42, v36;
	v39 =	vadd.f32 v32, v39  }
0x1e7: {  	v32 =	vadd.f32 v35, v37;
	v40 =	vmin.f32 v40, v38  }
.Ltmp5:
0x1e8: {  	v35 =	vmin.f32 v40, v39;
	(pc) =	sbr.rel @p0 .LBB2_13-.Ltmp5, $4  }
0x1e9: {  	v35 =	vmin.f32 v35, v32  }
0x1ea: {  	[tilespmem:s1+$0xFFFFFFF0] =	vst v35  }
0x1eb: {  	v37 =	vld [tilespmem:s25+$0x0]  }
0x1ec: {  	s30 =	sadd.s32 $0x20, s30;
	s1 =	sadd.s32 $0x20, s1;
	v35 =	vld [tilespmem:s31+$0x0];
	s31 =	sadd.s32 $0x20, s31  }
0x1ed: {  	v31 =	vmin.f32 v31, v36;
	v34 =	vmin.f32 v34, v39;
	v33 =	vmin.f32 v33, v38  }
0x1ee: {  	v40 =	vld [tilespmem:s26+$0x0];
	vm0 =	vmmov $0x1;
	vm14 =	vmmov $0x3;
	vm15 =	vmmov $0x7  }
0x1ef: {  	v60 =	vld [tilespmem:s28+$0x0];
	vm4 =	vmmov $0xf;
	vm5 =	vmmov $0x1f;
	vm6 =	vmmov $0x3f  }
0x1f0: {  	vm7 =	vmmov $0x7f;
	vm8 =	vmmov $0xff;
	v14 =	vmul.f32 v37, v14  }
0x1f1: {  	(xrf0) =	vmin.scan.msk.f32 $0xffff, v5;
	vm9 =	vmmov $0x1ff;
	v30 =	vmul.f32 v37, v30;
	v18 =	vmul.f32 v37, v18  }
0x1f2: {  	(xrf0) =	vmin.scan.msk.f32 $0xffff, v4;
	v61 =	vmul.f32 v37, v19;
	v17 =	vadd.f32 v35, v17;
	v26 =	vadd.f32 v35, v26  }
0x1f3: {  	(xrf0) =	vmin.scan.msk.f32 $0xffff, v3;
	v25 =	vadd.f32 v35, v25;
	v13 =	vmul.f32 v40, v13;
	v16 =	vmul.f32 v40, v16  }
0x1f4: {  	(xrf0) =	vmin.scan.msk.f32 $0xffff, v2;
	v62 =	vmul.f32 v40, v27;
	v10 =	vmul.f32 v60, v10;
	v14 =	vadd.f32 v17, v14  }
0x1f5: {  	v63 =	vld [tilespmem:s24+$0x0];
	v15 =	vadd.f32 v35, v15;
	(xrf0) =	vmin.scan.msk.f32 $0xffff, v9;
	v12 =	vmul.f32 v60, v12;
	v3 =	vmul.f32 v40, v23  }
0x1f6: {  	v27 =	vmul.f32 v60, v21;
	(xrf0) =	vmin.scan.msk.f32 $0xffff, v8;
	v18 =	vadd.f32 v26, v18;
	v13 =	vadd.f32 v14, v13  }
0x1f7: {  	v25 =	vadd.f32 v25, v61;
	v15 =	vadd.f32 v15, v30;
	v30 =	vmul.f32 v60, v22;
	v36, _, _ =	vpop (xrf0);
	(xrf0) =	vmin.scan.msk.f32 $0xffff, v7  }
0x1f8: {  	v38, _, _ =	vpop (xrf0);
	(xrf0) =	vmin.scan.msk.f32 $0xffff, v6;
	v8 =	vbroadcast v36, $0xF;
	v26 =	vadd.f32 v18, v16;
	v10 =	vadd.f32 v13, v10  }
0x1f9: {  	v2 =	vadd.f32 v25, v62;
	v3 =	vadd.f32 v15, v3;
	v9 =	vbroadcast v38, $0xF;
	v40, _, _ =	vpop (xrf0);
	(xrf0) =	vmin.scan.msk.f32 $0xffff, v28  }
0x1fa: {  	v41, _, _ =	vpop (xrf0);
	(xrf0) =	vmin.scan.msk.f32 $0xffff, v24;
	v13 =	vmin.f32 v31, v10;
	v5 =	vmin.f32 v63, v10;
	v10 =	vbroadcast v40, $0xF  }
0x1fb: {  	v12 =	vadd.f32 v26, v12;
	v8 =	vsel vm0, v8, v9;
	v42 =	vbroadcast v41, $0xF;
	v43, _, _ =	vpop (xrf0);
	(xrf0) =	vmin.scan.msk.f32 $0xffff, v20  }
0x1fc: {  	v2 =	vadd.f32 v2, v27;
	v44 =	vbroadcast v43, $0xF;
	v45, _, _ =	vpop (xrf0);
	(xrf0) =	vmin.scan.msk.f32 $0xffff, v11;
	v8 =	vsel vm14, v8, v10  }
0x1fd: {  	v35 =	vmin.f32 v33, v12;
	v46 =	vbroadcast v45, $0xF;
	v47, _, _ =	vpop (xrf0);
	(xrf0) =	vmin.scan.msk.f32 $0xffff, v13;
	v8 =	vsel vm15, v8, v42  }
0x1fe: {  	v39 =	vmin.f32 v34, v2;
	v48 =	vbroadcast v47, $0xF;
	v49, _, _ =	vpop (xrf0);
	(xrf0) =	vmin.scan.msk.f32 $0xffff, v35;
	v8 =	vsel vm4, v8, v44  }
0x1ff: {  	v3 =	vadd.f32 v3, v30;
	v51 =	vbroadcast v49, $0xF;
	v52, _, _ =	vpop (xrf0);
	(xrf0) =	vmin.scan.msk.f32 $0xffff, v39;
	v50 =	vsel vm5, v8, v46  }
0x200: {  	v37 =	vmin.f32 v29, v32;
	v53, _, _ =	vpop (xrf0);
	v9 =	vbroadcast v52, $0xF;
	v4 =	vsel vm6, v50, v48  }
0x201: {  	v7 =	vmin.f32 v37, v3;
	v54, _, _ =	vpop (xrf0);
	v6 =	vbroadcast v53, $0xF;
	v4 =	vsel vm7, v4, v51  }
0x202: {  	vm10 =	vmmov $0x3ff;
	(xrf0) =	vmin.scan.msk.f32 $0xffff, v7;
	v55 =	vbroadcast v54, $0xF;
	v56, _, _ =	vpop (xrf0);
	v4 =	vsel vm8, v4, v9  }
0x203: {  	vm11 =	vmmov $0x7ff;
	v58 =	vbroadcast v56, $0xF;
	v57, _, _ =	vpop (xrf0);
	v4 =	vsel vm9, v4, v6  }
0x204: {  	vm12 =	vmmov $0xfff;
	s22 =	sadd.s32 $0x1, s22;
	v59, _, _ =	vpop (xrf0);
	v7 =	vbroadcast v57, $0xF;
	v4 =	vsel vm10, v4, v55  }
0x205: {  	vm13 =	vmmov $0x1fff;
	p0 =	sne.s32 s22, $0x40;
	v60, _, _ =	vpop (xrf0);
	v61 =	vbroadcast v59, $0xF;
	v4 =	vsel vm11, v4, v58  }
.Ltmp6:
0x206: {  	v5 =	vmin.f32 v5, v12;
	v62 =	vbroadcast v60, $0xF;
	v4 =	vsel vm12, v4, v7;
	(pc) =	sbr.rel @p0 .LBB2_6-.Ltmp6, $4  }
0x207: {  	v2 =	vmin.f32 v5, v2;
	vm14 =	vmmov $0x3fff;
	v4 =	vsel vm13, v4, v61  }
0x208: {  	v2 =	vmin.f32 v2, v3;
	vm15 =	vmmov $0x7fff;
	v63, _, _ =	vpop (xrf0);
	v3 =	vsel vm14, v4, v62  }
0x209: {  	[tilespmem:s24+$0x0] =	vst v2;
	v2 =	vsel vm15, v3, v63  }
0x20a: {  	[tilespmem:s23+$0x3000] =	vst v2  }
0x20b: {  	[hbm4b:s10+s2] =	stream.linear.scatter [tilespmem:s19], [sflag:$0x1], $0x400, $0x38;
	[tilespmem:$0x3C00] =	vst v63  }
0x20c: {  	s21 =	sadd.s32 $0x1, s21;
	_ =	swait.ge [sflag:s3], $0x400  }
0x20d: {  	p0 =	sne.s32 s21, s12;
	[sflag:s3] =	ssyncset.done $0x0  }
.Ltmp7:
0x20e: {  	[sflag:s3] =	ssyncadd.s32 $0xFFFFFC00;
	(pc) =	sbr.rel @p0 .LBB2_1-.Ltmp7, $4  }
0x20f: {  	[hbm4b:s11+s2] =	stream.linear.scatter [tilespmem:s20], [sflag:$0x1], $0x800, $0x38;
	[tilespmem:$0x3C00] =	vst v63  }
0x210: {  	_ =	swait.ge [sflag:s3], $0x800  }
0x211: {  	[sflag:s3] =	ssyncset.done $0x0  }
0x212: {  	[sflag:s3] =	ssyncadd.s32 $0xFFFFF800  }
0x213: {  	_ =	sfence.sel $0x180000  }
0x214: {  	[bflag:$0x0] =	sbarrier.arrive $0xFFFF  }
0x215: {  	_ =	strace $0x90000047  }
0x216: {  	s0 =	stileid.u32;
	[bflag:$0x2] =	sbarrier.arrive $0xFFFF  }
0x217: {  	p0 =	sne.s32 s0, $0x0;
	s0 =	rddreg [dreg:$0x1]  }
0x218: {  	s0 =	sadd.s32 @!p0 $0x100000, s0  }
0x219: {  	[sflag:s0] =	ssyncadd.tile.s32 @!p0 $0x1;
	_ =	shalt  }
.Lfunc_end2:
_tile_overlayer_lowered:
.L_overlay_start_2:
0x21a: {  	(tag) =	ssettag $0x2  }
0x21b: {  	s0 =	rddreg [dreg:$0x0];
	s2 =	stileid.u32  }
0x21c: {  	s1 =	rddreg [dreg:$0x1];
	p0 =	sne.s32 s2, $0x0  }
0x21d: {  	s3 =	rddreg [dreg:$0x2];
	[bflag:$0x3] =	sbarrier.arrive $0xFFFF;
	s2 =	simm.s32 @!p0 $0x1C01  }
0x21e: {  	[timem:s3], [sflag:s2] =	dma.local @!p0 [hbm:s0], s1  }
0x21f: {  	s0 =	simm.s32 @!p0 $0x1  }
0x220: {  	_ =	swait.ge @!p0 [sflag:s0], s1  }
0x221: {  	s1 =	ssub.s32 @!p0 $0x0, s1;
	[sflag:s0] =	ssyncset.done @!p0 $0x0  }
0x222: {  	[sflag:s0] =	ssyncadd.s32 @!p0 s1  }
0x223: {  	[bflag:$0x3] =	sbarrier.arrive $0xFFFF  }
0x224: {  	_ =	shalt  }

</sc_bundles>
